<compile_context>
chip_gen: v7x
topology: tpu7x:2x2x1
jax: 0.10.2.dev20260603
libtpu: 0.0.44.dev20260713+nightly
codegen_flags: <defaults>
</compile_context>

<pallas_src>
import functools

import jax
import jax.numpy as jnp
from jax import lax
from jax.experimental import pallas as pl
from jax.experimental.pallas import tpu as pltpu
from jax.experimental.pallas import tpu_sc as plsc

NCLASS = 7
INNER = 256
QUEUE_LEN = 8827
ROWS = 32
QCHUNK = 2176


def _keys_body(res_ref, fea_ref, out_ref, acc_ref, cnt_ref, *, nb, nrh):
    b = pl.program_id(0)
    j = pl.program_id(1)

    @pl.when((b == 0) & (j == 0))
    def _init():
        acc_ref[...] = jnp.zeros_like(acc_ref)
        cnt_ref[...] = jnp.zeros_like(cnt_ref)

    r = res_ref[0]
    best = r[0]
    idx = jnp.zeros((ROWS, 128), jnp.int32)
    for c in range(1, NCLASS):
        row = r[c]
        gt = row > best
        best = jnp.where(gt, row, best)
        idx = jnp.where(gt, c, idx)

    classes = jax.lax.broadcasted_iota(jnp.int32, (8, ROWS, 128), 0)
    onehot = (classes == idx[None]).astype(jnp.float32)
    f = fea_ref[0]
    onehot2 = onehot.reshape(8, ROWS * 128)
    f2 = f.reshape(INNER, ROWS * 128)
    acc_ref[...] += jax.lax.dot_general(
        onehot2, f2, (((1,), (1,)), ((), ())),
        preferred_element_type=jnp.float32)
    cnt_ref[:, 0:1] += jnp.sum(onehot2, axis=1, keepdims=True)

    @pl.when((b == nb - 1) & (j == nrh - 1))
    def _fini():
        cnt = cnt_ref[:, 0:1]
        keys = acc_ref[...] / jnp.maximum(cnt, 1.0)
        norm = jnp.sqrt(jnp.sum(keys * keys, axis=1, keepdims=True))
        out_ref[...] = keys / jnp.maximum(norm, 1e-12)


def _sc_copy_body(q_hbm, out_hbm, buf, sin, sout):
    wid = lax.axis_index("s") * 2 + lax.axis_index("c")
    base = wid * 8
    for c in range(NCLASS):
        pltpu.async_copy(q_hbm.at[c, pl.ds(base, 8), :], buf, sin).wait()
        pltpu.async_copy(buf, out_hbm.at[c, pl.ds(base, 8), :], sout).wait()


def _col_body(keys_ref, q_ref, out_ref):
    i = pl.program_id(0)
    data = q_ref[0]
    kfull = keys_ref[0]
    sel = jax.lax.broadcasted_iota(jnp.int32, (INNER, NCLASS), 1) == i
    kcol = jnp.sum(jnp.where(sel, kfull, 0.0), axis=1, keepdims=True)
    lane = jax.lax.broadcasted_iota(jnp.int32, (INNER, 128), 1)
    out_ref[0] = jnp.where(lane == 0, kcol, data)


def _qcopy_body(keys_ref, q_ref, out_ref):
    i = pl.program_id(0)
    j = pl.program_id(1)
    data = q_ref[0]

    @pl.when(j != 0)
    def _copy():
        out_ref[0] = data

    @pl.when(j == 0)
    def _copy0():
        kfull = keys_ref[0]
        sel = jax.lax.broadcasted_iota(jnp.int32, (INNER, NCLASS), 1) == i
        kcol = jnp.sum(jnp.where(sel, kfull, 0.0), axis=1, keepdims=True)
        lane = jax.lax.broadcasted_iota(jnp.int32, (INNER, QCHUNK), 1)
        out_ref[0] = jnp.where(lane == 0, kcol, data)


def kernel(fea, res, queue, batch_size):
    bs = fea.shape[0]
    h, w = fea.shape[2], fea.shape[3]
    nrh = h // ROWS

    keys8 = pl.pallas_call(
        lambda rr, fr, orr, ar, cr: _keys_body(rr, fr, orr, ar, cr,
                                               nb=bs, nrh=nrh),
        grid=(bs, nrh),
        in_specs=[
            pl.BlockSpec((1, NCLASS, ROWS, w), lambda b, j: (b, 0, j, 0)),
            pl.BlockSpec((1, INNER, ROWS, w), lambda b, j: (b, 0, j, 0)),
        ],
        out_specs=pl.BlockSpec((8, INNER), lambda b, j: (0, 0)),
        out_shape=jax.ShapeDtypeStruct((8, INNER), jnp.float32),
        scratch_shapes=[
            pltpu.VMEM((8, INNER), jnp.float32),
            pltpu.VMEM((8, 128), jnp.float32),
        ],
        compiler_params=pltpu.CompilerParams(
            dimension_semantics=("arbitrary", "arbitrary")),
    )(res, fea)

    keys = keys8[:NCLASS]
    keys_t3 = keys.T.reshape(1, INNER, NCLASS)

    mesh = plsc.VectorSubcoreMesh(core_axis_name="c", subcore_axis_name="s")
    qcopied = pl.kernel(
        _sc_copy_body,
        mesh=mesh,
        out_type=jax.ShapeDtypeStruct((NCLASS, INNER, QUEUE_LEN), jnp.float32),
        scratch_types=[
            pltpu.VMEM((8, QUEUE_LEN), jnp.float32),
            pltpu.SemaphoreType.DMA,
            pltpu.SemaphoreType.DMA,
        ],
    )(queue)

    new_queue = pl.pallas_call(
        _col_body,
        grid=(NCLASS,),
        in_specs=[
            pl.BlockSpec((1, INNER, NCLASS), lambda i: (0, 0, 0)),
            pl.BlockSpec((1, INNER, 128), lambda i: (i, 0, 0)),
        ],
        out_specs=pl.BlockSpec((1, INNER, 128), lambda i: (i, 0, 0)),
        out_shape=jax.ShapeDtypeStruct((NCLASS, INNER, QUEUE_LEN), jnp.float32),
        input_output_aliases={1: 0},
        compiler_params=pltpu.CompilerParams(
            dimension_semantics=("arbitrary",)),
    )(keys_t3, qcopied)

    vals = jnp.arange(NCLASS, dtype=jnp.int64)
    return (keys, vals, new_queue)

# --- scband reference (transcript-rebuilt; emitter-appended) ---
"""Pipeline reference for scband-region-memnory-90752658964665 (READ-ONLY COPY).

The authoritative reference and input builder live on the scoring server;
editing this copy changes nothing except your own understanding.
"""

import jax, jax.numpy as jnp
import numpy as np

NCLASS = 7
INNER = 256
QUEUE_LEN = 8827


def setup_inputs(seed: int = 0) -> dict:
    key = jax.random.key(seed)
    k1, k2, k3 = jax.random.split(key, 3)
    fea = jax.random.normal(k1, (8, 256, 128, 128), dtype=jnp.float32)
    res = jax.random.normal(k2, (8, NCLASS, 128, 128), dtype=jnp.float32)
    queue = jax.random.normal(k3, (NCLASS, INNER, QUEUE_LEN), dtype=jnp.float32)
    queue = queue / jnp.maximum(jnp.linalg.norm(queue, axis=1, keepdims=True), 1e-12)
    return {"fea": fea, "res": res, "queue": queue, "batch_size": 8}


def reference(fea, res, queue, batch_size):
    bs = fea.shape[0]
    # construct_region: per-pixel argmax prediction, then per-class mean of features
    pred = jnp.argmax(res, axis=1).reshape(bs, -1)          # [bs, HW]
    pred_flat = pred.reshape(-1)                             # [bs*HW]
    # fea.view(bs,256,-1).permute(1,0,2) -> [256, bs, HW]; mask flattens (bs,HW) row-major
    fea_flat = fea.reshape(bs, INNER, -1).transpose(1, 0, 2).reshape(INNER, -1).T  # [bs*HW, 256]
    sums = jax.ops.segment_sum(fea_flat, pred_flat, num_segments=NCLASS)           # [NCLASS, 256]
    counts = jax.ops.segment_sum(jnp.ones_like(pred_flat, dtype=fea.dtype), pred_flat, num_segments=NCLASS)
    keys = sums / jnp.maximum(counts, 1.0)[:, None]
    # F.normalize(keys, dim=1)
    keys = keys / jnp.maximum(jnp.linalg.norm(keys, axis=1, keepdims=True), 1e-12)
    vals = jnp.arange(NCLASS, dtype=jnp.int64)
    # supervised dequeue/enqueue: all ptr buffers start at 0, so each class key is
    # scattered into column 0 of its class queue (memory overwrite)
    new_queue = queue.at[:, :, 0].set(keys)
    return (keys, vals, new_queue)

if __name__ == "__main__":
    import jax
    _d = setup_inputs()
    print(jax.jit(kernel)(*tuple(_d.values())))

</pallas_src>

<mosaic_0001>
#map = affine_map<(d0, d1) -> (0, 0, 0)>
module attributes {stable_mosaic.version = 14 : i64} {
  func.func @_sc_copy_body(%arg0: i32, %arg1: i32, %arg2: memref<7x256x8827xf32, #tpu.memory_space<hbm>>, %arg3: memref<7x256x8827xf32, #tpu.memory_space<hbm>>, %arg4: memref<8x8827xf32, #tpu.memory_space<vmem>>, %arg5: memref<!tpu.dma_semaphore, #tpu.memory_space<semaphore_mem>>, %arg6: memref<!tpu.dma_semaphore, #tpu.memory_space<semaphore_mem>>) attributes {dimension_semantics = [#tpu.dimension_semantics<core_parallel>, #tpu.dimension_semantics<subcore_parallel>], iteration_bounds = array<i64: 2, 16>, scalar_prefetch = 0 : i64, scratch_operands = 3 : i64, tpu.core_type = #tpu.core_type<sc_vector_subcore>, window_params = [{transform_indices = #map}, {transform_indices = #map}]} {
    %mul3A = arith.constant 2 : i32
    %mul3A_0 = arith.muli %arg1, %mul3A : i32
    %add3A = arith.addi %mul3A_0, %arg0 : i32
    %mul3A_1 = arith.constant 8 : i32
    %mul3A_2 = arith.muli %add3A, %mul3A_1 : i32
    %dma_start3A = arith.constant 0 : i32
    %dma_start3A_3 = arith.constant 0 : i32
    %dma_start3A_4 = tpu.memref_slice %arg2[%dma_start3A, %mul3A_2, %dma_start3A_3] : memref<7x256x8827xf32, #tpu.memory_space<hbm>> -> memref<1x8x8827xf32, #tpu.memory_space<hbm>>
    %dma_start3A_5 = tpu.memref_squeeze %dma_start3A_4 : memref<1x8x8827xf32, #tpu.memory_space<hbm>> -> memref<8x8827xf32, #tpu.memory_space<hbm>>
    %dma_start3A_6 = arith.constant 0 : i32
    %dma_start3A_7 = tpu.memref_slice %arg2[%dma_start3A, %mul3A_2, %dma_start3A_6] : memref<7x256x8827xf32, #tpu.memory_space<hbm>> -> memref<1x8x8827xf32, #tpu.memory_space<hbm>>
    %dma_start3A_8 = tpu.memref_squeeze %dma_start3A_7 : memref<1x8x8827xf32, #tpu.memory_space<hbm>> -> memref<8x8827xf32, #tpu.memory_space<hbm>>
    tpu.enqueue_dma source(%dma_start3A_8 : memref<8x8827xf32, #tpu.memory_space<hbm>>) target(%arg4 : memref<8x8827xf32, #tpu.memory_space<vmem>>) target_semaphore(%arg5 : memref<!tpu.dma_semaphore, #tpu.memory_space<semaphore_mem>>)
    %dma_wait3A = arith.constant 0 : i32
    %dma_wait3A_9 = arith.constant 0 : i32
    %dma_wait3A_10 = tpu.memref_slice %arg2[%dma_wait3A, %mul3A_2, %dma_wait3A_9] : memref<7x256x8827xf32, #tpu.memory_space<hbm>> -> memref<1x8x8827xf32, #tpu.memory_space<hbm>>
    %dma_wait3A_11 = tpu.memref_squeeze %dma_wait3A_10 : memref<1x8x8827xf32, #tpu.memory_space<hbm>> -> memref<8x8827xf32, #tpu.memory_space<hbm>>
    %dma_wait3A_12 = arith.constant 0 : i32
    %dma_wait3A_13 = tpu.memref_slice %arg2[%dma_wait3A, %mul3A_2, %dma_wait3A_12] : memref<7x256x8827xf32, #tpu.memory_space<hbm>> -> memref<1x8x8827xf32, #tpu.memory_space<hbm>>
    %dma_wait3A_14 = tpu.memref_squeeze %dma_wait3A_13 : memref<1x8x8827xf32, #tpu.memory_space<hbm>> -> memref<8x8827xf32, #tpu.memory_space<hbm>>
    tpu.wait_dma2 semaphore(%arg5 : memref<!tpu.dma_semaphore, #tpu.memory_space<semaphore_mem>>) src(%dma_wait3A_14 : memref<8x8827xf32, #tpu.memory_space<hbm>>) dst(%arg4 : memref<8x8827xf32, #tpu.memory_space<vmem>>)
    %dma_start3A_15 = arith.constant 0 : i32
    %dma_start3A_16 = arith.constant 0 : i32
    %dma_start3A_17 = tpu.memref_slice %arg3[%dma_start3A_15, %mul3A_2, %dma_start3A_16] : memref<7x256x8827xf32, #tpu.memory_space<hbm>> -> memref<1x8x8827xf32, #tpu.memory_space<hbm>>
    %dma_start3A_18 = tpu.memref_squeeze %dma_start3A_17 : memref<1x8x8827xf32, #tpu.memory_space<hbm>> -> memref<8x8827xf32, #tpu.memory_space<hbm>>
    %dma_start3A_19 = arith.constant 0 : i32
    %dma_start3A_20 = tpu.memref_slice %arg3[%dma_start3A_15, %mul3A_2, %dma_start3A_19] : memref<7x256x8827xf32, #tpu.memory_space<hbm>> -> memref<1x8x8827xf32, #tpu.memory_space<hbm>>
    %dma_start3A_21 = tpu.memref_squeeze %dma_start3A_20 : memref<1x8x8827xf32, #tpu.memory_space<hbm>> -> memref<8x8827xf32, #tpu.memory_space<hbm>>
    tpu.enqueue_dma source(%arg4 : memref<8x8827xf32, #tpu.memory_space<vmem>>) target(%dma_start3A_21 : memref<8x8827xf32, #tpu.memory_space<hbm>>) target_semaphore(%arg6 : memref<!tpu.dma_semaphore, #tpu.memory_space<semaphore_mem>>)
    %dma_wait3A_22 = arith.constant 0 : i32
    %dma_wait3A_23 = arith.constant 0 : i32
    %dma_wait3A_24 = tpu.memref_slice %arg3[%dma_wait3A_22, %mul3A_2, %dma_wait3A_23] : memref<7x256x8827xf32, #tpu.memory_space<hbm>> -> memref<1x8x8827xf32, #tpu.memory_space<hbm>>
    %dma_wait3A_25 = tpu.memref_squeeze %dma_wait3A_24 : memref<1x8x8827xf32, #tpu.memory_space<hbm>> -> memref<8x8827xf32, #tpu.memory_space<hbm>>
    %dma_wait3A_26 = arith.constant 0 : i32
    %dma_wait3A_27 = tpu.memref_slice %arg3[%dma_wait3A_22, %mul3A_2, %dma_wait3A_26] : memref<7x256x8827xf32, #tpu.memory_space<hbm>> -> memref<1x8x8827xf32, #tpu.memory_space<hbm>>
    %dma_wait3A_28 = tpu.memref_squeeze %dma_wait3A_27 : memref<1x8x8827xf32, #tpu.memory_space<hbm>> -> memref<8x8827xf32, #tpu.memory_space<hbm>>
    tpu.wait_dma2 semaphore(%arg6 : memref<!tpu.dma_semaphore, #tpu.memory_space<semaphore_mem>>) src(%arg4 : memref<8x8827xf32, #tpu.memory_space<vmem>>) dst(%dma_wait3A_28 : memref<8x8827xf32, #tpu.memory_space<hbm>>)
    %dma_start3A_29 = arith.constant 1 : i32
    %dma_start3A_30 = arith.constant 0 : i32
    %dma_start3A_31 = tpu.memref_slice %arg2[%dma_start3A_29, %mul3A_2, %dma_start3A_30] : memref<7x256x8827xf32, #tpu.memory_space<hbm>> -> memref<1x8x8827xf32, #tpu.memory_space<hbm>>
    %dma_start3A_32 = tpu.memref_squeeze %dma_start3A_31 : memref<1x8x8827xf32, #tpu.memory_space<hbm>> -> memref<8x8827xf32, #tpu.memory_space<hbm>>
    %dma_start3A_33 = arith.constant 0 : i32
    %dma_start3A_34 = tpu.memref_slice %arg2[%dma_start3A_29, %mul3A_2, %dma_start3A_33] : memref<7x256x8827xf32, #tpu.memory_space<hbm>> -> memref<1x8x8827xf32, #tpu.memory_space<hbm>>
    %dma_start3A_35 = tpu.memref_squeeze %dma_start3A_34 : memref<1x8x8827xf32, #tpu.memory_space<hbm>> -> memref<8x8827xf32, #tpu.memory_space<hbm>>
    tpu.enqueue_dma source(%dma_start3A_35 : memref<8x8827xf32, #tpu.memory_space<hbm>>) target(%arg4 : memref<8x8827xf32, #tpu.memory_space<vmem>>) target_semaphore(%arg5 : memref<!tpu.dma_semaphore, #tpu.memory_space<semaphore_mem>>)
    %dma_wait3A_36 = arith.constant 1 : i32
    %dma_wait3A_37 = arith.constant 0 : i32
    %dma_wait3A_38 = tpu.memref_slice %arg2[%dma_wait3A_36, %mul3A_2, %dma_wait3A_37] : memref<7x256x8827xf32, #tpu.memory_space<hbm>> -> memref<1x8x8827xf32, #tpu.memory_space<hbm>>
    %dma_wait3A_39 = tpu.memref_squeeze %dma_wait3A_38 : memref<1x8x8827xf32, #tpu.memory_space<hbm>> -> memref<8x8827xf32, #tpu.memory_space<hbm>>
    %dma_wait3A_40 = arith.constant 0 : i32
    %dma_wait3A_41 = tpu.memref_slice %arg2[%dma_wait3A_36, %mul3A_2, %dma_wait3A_40] : memref<7x256x8827xf32, #tpu.memory_space<hbm>> -> memref<1x8x8827xf32, #tpu.memory_space<hbm>>
    %dma_wait3A_42 = tpu.memref_squeeze %dma_wait3A_41 : memref<1x8x8827xf32, #tpu.memory_space<hbm>> -> memref<8x8827xf32, #tpu.memory_space<hbm>>
    tpu.wait_dma2 semaphore(%arg5 : memref<!tpu.dma_semaphore, #tpu.memory_space<semaphore_mem>>) src(%dma_wait3A_42 : memref<8x8827xf32, #tpu.memory_space<hbm>>) dst(%arg4 : memref<8x8827xf32, #tpu.memory_space<vmem>>)
    %dma_start3A_43 = arith.constant 1 : i32
    %dma_start3A_44 = arith.constant 0 : i32
    %dma_start3A_45 = tpu.memref_slice %arg3[%dma_start3A_43, %mul3A_2, %dma_start3A_44] : memref<7x256x8827xf32, #tpu.memory_space<hbm>> -> memref<1x8x8827xf32, #tpu.memory_space<hbm>>
    %dma_start3A_46 = tpu.memref_squeeze %dma_start3A_45 : memref<1x8x8827xf32, #tpu.memory_space<hbm>> -> memref<8x8827xf32, #tpu.memory_space<hbm>>
    %dma_start3A_47 = arith.constant 0 : i32
    %dma_start3A_48 = tpu.memref_slice %arg3[%dma_start3A_43, %mul3A_2, %dma_start3A_47] : memref<7x256x8827xf32, #tpu.memory_space<hbm>> -> memref<1x8x8827xf32, #tpu.memory_space<hbm>>
    %dma_start3A_49 = tpu.memref_squeeze %dma_start3A_48 : memref<1x8x8827xf32, #tpu.memory_space<hbm>> -> memref<8x8827xf32, #tpu.memory_space<hbm>>
    tpu.enqueue_dma source(%arg4 : memref<8x8827xf32, #tpu.memory_space<vmem>>) target(%dma_start3A_49 : memref<8x8827xf32, #tpu.memory_space<hbm>>) target_semaphore(%arg6 : memref<!tpu.dma_semaphore, #tpu.memory_space<semaphore_mem>>)
    %dma_wait3A_50 = arith.constant 1 : i32
    %dma_wait3A_51 = arith.constant 0 : i32
    %dma_wait3A_52 = tpu.memref_slice %arg3[%dma_wait3A_50, %mul3A_2, %dma_wait3A_51] : memref<7x256x8827xf32, #tpu.memory_space<hbm>> -> memref<1x8x8827xf32, #tpu.memory_space<hbm>>
    %dma_wait3A_53 = tpu.memref_squeeze %dma_wait3A_52 : memref<1x8x8827xf32, #tpu.memory_space<hbm>> -> memref<8x8827xf32, #tpu.memory_space<hbm>>
    %dma_wait3A_54 = arith.constant 0 : i32
    %dma_wait3A_55 = tpu.memref_slice %arg3[%dma_wait3A_50, %mul3A_2, %dma_wait3A_54] : memref<7x256x8827xf32, #tpu.memory_space<hbm>> -> memref<1x8x8827xf32, #tpu.memory_space<hbm>>
    %dma_wait3A_56 = tpu.memref_squeeze %dma_wait3A_55 : memref<1x8x8827xf32, #tpu.memory_space<hbm>> -> memref<8x8827xf32, #tpu.memory_space<hbm>>
    tpu.wait_dma2 semaphore(%arg6 : memref<!tpu.dma_semaphore, #tpu.memory_space<semaphore_mem>>) src(%arg4 : memref<8x8827xf32, #tpu.memory_space<vmem>>) dst(%dma_wait3A_56 : memref<8x8827xf32, #tpu.memory_space<hbm>>)
    %dma_start3A_57 = arith.constant 2 : i32
    %dma_start3A_58 = arith.constant 0 : i32
    %dma_start3A_59 = tpu.memref_slice %arg2[%dma_start3A_57, %mul3A_2, %dma_start3A_58] : memref<7x256x8827xf32, #tpu.memory_space<hbm>> -> memref<1x8x8827xf32, #tpu.memory_space<hbm>>
    %dma_start3A_60 = tpu.memref_squeeze %dma_start3A_59 : memref<1x8x8827xf32, #tpu.memory_space<hbm>> -> memref<8x8827xf32, #tpu.memory_space<hbm>>
    %dma_start3A_61 = arith.constant 0 : i32
    %dma_start3A_62 = tpu.memref_slice %arg2[%dma_start3A_57, %mul3A_2, %dma_start3A_61] : memref<7x256x8827xf32, #tpu.memory_space<hbm>> -> memref<1x8x8827xf32, #tpu.memory_space<hbm>>
    %dma_start3A_63 = tpu.memref_squeeze %dma_start3A_62 : memref<1x8x8827xf32, #tpu.memory_space<hbm>> -> memref<8x8827xf32, #tpu.memory_space<hbm>>
    tpu.enqueue_dma source(%dma_start3A_63 : memref<8x8827xf32, #tpu.memory_space<hbm>>) target(%arg4 : memref<8x8827xf32, #tpu.memory_space<vmem>>) target_semaphore(%arg5 : memref<!tpu.dma_semaphore, #tpu.memory_space<semaphore_mem>>)
    %dma_wait3A_64 = arith.constant 2 : i32
    %dma_wait3A_65 = arith.constant 0 : i32
    %dma_wait3A_66 = tpu.memref_slice %arg2[%dma_wait3A_64, %mul3A_2, %dma_wait3A_65] : memref<7x256x8827xf32, #tpu.memory_space<hbm>> -> memref<1x8x8827xf32, #tpu.memory_space<hbm>>
    %dma_wait3A_67 = tpu.memref_squeeze %dma_wait3A_66 : memref<1x8x8827xf32, #tpu.memory_space<hbm>> -> memref<8x8827xf32, #tpu.memory_space<hbm>>
    %dma_wait3A_68 = arith.constant 0 : i32
    %dma_wait3A_69 = tpu.memref_slice %arg2[%dma_wait3A_64, %mul3A_2, %dma_wait3A_68] : memref<7x256x8827xf32, #tpu.memory_space<hbm>> -> memref<1x8x8827xf32, #tpu.memory_space<hbm>>
    %dma_wait3A_70 = tpu.memref_squeeze %dma_wait3A_69 : memref<1x8x8827xf32, #tpu.memory_space<hbm>> -> memref<8x8827xf32, #tpu.memory_space<hbm>>
    tpu.wait_dma2 semaphore(%arg5 : memref<!tpu.dma_semaphore, #tpu.memory_space<semaphore_mem>>) src(%dma_wait3A_70 : memref<8x8827xf32, #tpu.memory_space<hbm>>) dst(%arg4 : memref<8x8827xf32, #tpu.memory_space<vmem>>)
    %dma_start3A_71 = arith.constant 2 : i32
    %dma_start3A_72 = arith.constant 0 : i32
    %dma_start3A_73 = tpu.memref_slice %arg3[%dma_start3A_71, %mul3A_2, %dma_start3A_72] : memref<7x256x8827xf32, #tpu.memory_space<hbm>> -> memref<1x8x8827xf32, #tpu.memory_space<hbm>>
    %dma_start3A_74 = tpu.memref_squeeze %dma_start3A_73 : memref<1x8x8827xf32, #tpu.memory_space<hbm>> -> memref<8x8827xf32, #tpu.memory_space<hbm>>
    %dma_start3A_75 = arith.constant 0 : i32
    %dma_start3A_76 = tpu.memref_slice %arg3[%dma_start3A_71, %mul3A_2, %dma_start3A_75] : memref<7x256x8827xf32, #tpu.memory_space<hbm>> -> memref<1x8x8827xf32, #tpu.memory_space<hbm>>
    %dma_start3A_77 = tpu.memref_squeeze %dma_start3A_76 : memref<1x8x8827xf32, #tpu.memory_space<hbm>> -> memref<8x8827xf32, #tpu.memory_space<hbm>>
    tpu.enqueue_dma source(%arg4 : memref<8x8827xf32, #tpu.memory_space<vmem>>) target(%dma_start3A_77 : memref<8x8827xf32, #tpu.memory_space<hbm>>) target_semaphore(%arg6 : memref<!tpu.dma_semaphore, #tpu.memory_space<semaphore_mem>>)
    %dma_wait3A_78 = arith.constant 2 : i32
    %dma_wait3A_79 = arith.constant 0 : i32
    %dma_wait3A_80 = tpu.memref_slice %arg3[%dma_wait3A_78, %mul3A_2, %dma_wait3A_79] : memref<7x256x8827xf32, #tpu.memory_space<hbm>> -> memref<1x8x8827xf32, #tpu.memory_space<hbm>>
    %dma_wait3A_81 = tpu.memref_squeeze %dma_wait3A_80 : memref<1x8x8827xf32, #tpu.memory_space<hbm>> -> memref<8x8827xf32, #tpu.memory_space<hbm>>
    %dma_wait3A_82 = arith.constant 0 : i32
    %dma_wait3A_83 = tpu.memref_slice %arg3[%dma_wait3A_78, %mul3A_2, %dma_wait3A_82] : memref<7x256x8827xf32, #tpu.memory_space<hbm>> -> memref<1x8x8827xf32, #tpu.memory_space<hbm>>
    %dma_wait3A_84 = tpu.memref_squeeze %dma_wait3A_83 : memref<1x8x8827xf32, #tpu.memory_space<hbm>> -> memref<8x8827xf32, #tpu.memory_space<hbm>>
    tpu.wait_dma2 semaphore(%arg6 : memref<!tpu.dma_semaphore, #tpu.memory_space<semaphore_mem>>) src(%arg4 : memref<8x8827xf32, #tpu.memory_space<vmem>>) dst(%dma_wait3A_84 : memref<8x8827xf32, #tpu.memory_space<hbm>>)
    %dma_start3A_85 = arith.constant 3 : i32
    %dma_start3A_86 = arith.constant 0 : i32
    %dma_start3A_87 = tpu.memref_slice %arg2[%dma_start3A_85, %mul3A_2, %dma_start3A_86] : memref<7x256x8827xf32, #tpu.memory_space<hbm>> -> memref<1x8x8827xf32, #tpu.memory_space<hbm>>
    %dma_start3A_88 = tpu.memref_squeeze %dma_start3A_87 : memref<1x8x8827xf32, #tpu.memory_space<hbm>> -> memref<8x8827xf32, #tpu.memory_space<hbm>>
    %dma_start3A_89 = arith.constant 0 : i32
    %dma_start3A_90 = tpu.memref_slice %arg2[%dma_start3A_85, %mul3A_2, %dma_start3A_89] : memref<7x256x8827xf32, #tpu.memory_space<hbm>> -> memref<1x8x8827xf32, #tpu.memory_space<hbm>>
    %dma_start3A_91 = tpu.memref_squeeze %dma_start3A_90 : memref<1x8x8827xf32, #tpu.memory_space<hbm>> -> memref<8x8827xf32, #tpu.memory_space<hbm>>
    tpu.enqueue_dma source(%dma_start3A_91 : memref<8x8827xf32, #tpu.memory_space<hbm>>) target(%arg4 : memref<8x8827xf32, #tpu.memory_space<vmem>>) target_semaphore(%arg5 : memref<!tpu.dma_semaphore, #tpu.memory_space<semaphore_mem>>)
    %dma_wait3A_92 = arith.constant 3 : i32
    %dma_wait3A_93 = arith.constant 0 : i32
    %dma_wait3A_94 = tpu.memref_slice %arg2[%dma_wait3A_92, %mul3A_2, %dma_wait3A_93] : memref<7x256x8827xf32, #tpu.memory_space<hbm>> -> memref<1x8x8827xf32, #tpu.memory_space<hbm>>
    %dma_wait3A_95 = tpu.memref_squeeze %dma_wait3A_94 : memref<1x8x8827xf32, #tpu.memory_space<hbm>> -> memref<8x8827xf32, #tpu.memory_space<hbm>>
    %dma_wait3A_96 = arith.constant 0 : i32
    %dma_wait3A_97 = tpu.memref_slice %arg2[%dma_wait3A_92, %mul3A_2, %dma_wait3A_96] : memref<7x256x8827xf32, #tpu.memory_space<hbm>> -> memref<1x8x8827xf32, #tpu.memory_space<hbm>>
    %dma_wait3A_98 = tpu.memref_squeeze %dma_wait3A_97 : memref<1x8x8827xf32, #tpu.memory_space<hbm>> -> memref<8x8827xf32, #tpu.memory_space<hbm>>
    tpu.wait_dma2 semaphore(%arg5 : memref<!tpu.dma_semaphore, #tpu.memory_space<semaphore_mem>>) src(%dma_wait3A_98 : memref<8x8827xf32, #tpu.memory_space<hbm>>) dst(%arg4 : memref<8x8827xf32, #tpu.memory_space<vmem>>)
    %dma_start3A_99 = arith.constant 3 : i32
    %dma_start3A_100 = arith.constant 0 : i32
    %dma_start3A_101 = tpu.memref_slice %arg3[%dma_start3A_99, %mul3A_2, %dma_start3A_100] : memref<7x256x8827xf32, #tpu.memory_space<hbm>> -> memref<1x8x8827xf32, #tpu.memory_space<hbm>>
    %dma_start3A_102 = tpu.memref_squeeze %dma_start3A_101 : memref<1x8x8827xf32, #tpu.memory_space<hbm>> -> memref<8x8827xf32, #tpu.memory_space<hbm>>
    %dma_start3A_103 = arith.constant 0 : i32
    %dma_start3A_104 = tpu.memref_slice %arg3[%dma_start3A_99, %mul3A_2, %dma_start3A_103] : memref<7x256x8827xf32, #tpu.memory_space<hbm>> -> memref<1x8x8827xf32, #tpu.memory_space<hbm>>
    %dma_start3A_105 = tpu.memref_squeeze %dma_start3A_104 : memref<1x8x8827xf32, #tpu.memory_space<hbm>> -> memref<8x8827xf32, #tpu.memory_space<hbm>>
    tpu.enqueue_dma source(%arg4 : memref<8x8827xf32, #tpu.memory_space<vmem>>) target(%dma_start3A_105 : memref<8x8827xf32, #tpu.memory_space<hbm>>) target_semaphore(%arg6 : memref<!tpu.dma_semaphore, #tpu.memory_space<semaphore_mem>>)
    %dma_wait3A_106 = arith.constant 3 : i32
    %dma_wait3A_107 = arith.constant 0 : i32
    %dma_wait3A_108 = tpu.memref_slice %arg3[%dma_wait3A_106, %mul3A_2, %dma_wait3A_107] : memref<7x256x8827xf32, #tpu.memory_space<hbm>> -> memref<1x8x8827xf32, #tpu.memory_space<hbm>>
    %dma_wait3A_109 = tpu.memref_squeeze %dma_wait3A_108 : memref<1x8x8827xf32, #tpu.memory_space<hbm>> -> memref<8x8827xf32, #tpu.memory_space<hbm>>
    %dma_wait3A_110 = arith.constant 0 : i32
    %dma_wait3A_111 = tpu.memref_slice %arg3[%dma_wait3A_106, %mul3A_2, %dma_wait3A_110] : memref<7x256x8827xf32, #tpu.memory_space<hbm>> -> memref<1x8x8827xf32, #tpu.memory_space<hbm>>
    %dma_wait3A_112 = tpu.memref_squeeze %dma_wait3A_111 : memref<1x8x8827xf32, #tpu.memory_space<hbm>> -> memref<8x8827xf32, #tpu.memory_space<hbm>>
    tpu.wait_dma2 semaphore(%arg6 : memref<!tpu.dma_semaphore, #tpu.memory_space<semaphore_mem>>) src(%arg4 : memref<8x8827xf32, #tpu.memory_space<vmem>>) dst(%dma_wait3A_112 : memref<8x8827xf32, #tpu.memory_space<hbm>>)
    %dma_start3A_113 = arith.constant 4 : i32
    %dma_start3A_114 = arith.constant 0 : i32
    %dma_start3A_115 = tpu.memref_slice %arg2[%dma_start3A_113, %mul3A_2, %dma_start3A_114] : memref<7x256x8827xf32, #tpu.memory_space<hbm>> -> memref<1x8x8827xf32, #tpu.memory_space<hbm>>
    %dma_start3A_116 = tpu.memref_squeeze %dma_start3A_115 : memref<1x8x8827xf32, #tpu.memory_space<hbm>> -> memref<8x8827xf32, #tpu.memory_space<hbm>>
    %dma_start3A_117 = arith.constant 0 : i32
    %dma_start3A_118 = tpu.memref_slice %arg2[%dma_start3A_113, %mul3A_2, %dma_start3A_117] : memref<7x256x8827xf32, #tpu.memory_space<hbm>> -> memref<1x8x8827xf32, #tpu.memory_space<hbm>>
    %dma_start3A_119 = tpu.memref_squeeze %dma_start3A_118 : memref<1x8x8827xf32, #tpu.memory_space<hbm>> -> memref<8x8827xf32, #tpu.memory_space<hbm>>
    tpu.enqueue_dma source(%dma_start3A_119 : memref<8x8827xf32, #tpu.memory_space<hbm>>) target(%arg4 : memref<8x8827xf32, #tpu.memory_space<vmem>>) target_semaphore(%arg5 : memref<!tpu.dma_semaphore, #tpu.memory_space<semaphore_mem>>)
    %dma_wait3A_120 = arith.constant 4 : i32
    %dma_wait3A_121 = arith.constant 0 : i32
    %dma_wait3A_122 = tpu.memref_slice %arg2[%dma_wait3A_120, %mul3A_2, %dma_wait3A_121] : memref<7x256x8827xf32, #tpu.memory_space<hbm>> -> memref<1x8x8827xf32, #tpu.memory_space<hbm>>
    %dma_wait3A_123 = tpu.memref_squeeze %dma_wait3A_122 : memref<1x8x8827xf32, #tpu.memory_space<hbm>> -> memref<8x8827xf32, #tpu.memory_space<hbm>>
    %dma_wait3A_124 = arith.constant 0 : i32
    %dma_wait3A_125 = tpu.memref_slice %arg2[%dma_wait3A_120, %mul3A_2, %dma_wait3A_124] : memref<7x256x8827xf32, #tpu.memory_space<hbm>> -> memref<1x8x8827xf32, #tpu.memory_space<hbm>>
    %dma_wait3A_126 = tpu.memref_squeeze %dma_wait3A_125 : memref<1x8x8827xf32, #tpu.memory_space<hbm>> -> memref<8x8827xf32, #tpu.memory_space<hbm>>
    tpu.wait_dma2 semaphore(%arg5 : memref<!tpu.dma_semaphore, #tpu.memory_space<semaphore_mem>>) src(%dma_wait3A_126 : memref<8x8827xf32, #tpu.memory_space<hbm>>) dst(%arg4 : memref<8x8827xf32, #tpu.memory_space<vmem>>)
    %dma_start3A_127 = arith.constant 4 : i32
    %dma_start3A_128 = arith.constant 0 : i32
    %dma_start3A_129 = tpu.memref_slice %arg3[%dma_start3A_127, %mul3A_2, %dma_start3A_128] : memref<7x256x8827xf32, #tpu.memory_space<hbm>> -> memref<1x8x8827xf32, #tpu.memory_space<hbm>>
    %dma_start3A_130 = tpu.memref_squeeze %dma_start3A_129 : memref<1x8x8827xf32, #tpu.memory_space<hbm>> -> memref<8x8827xf32, #tpu.memory_space<hbm>>
    %dma_start3A_131 = arith.constant 0 : i32
    %dma_start3A_132 = tpu.memref_slice %arg3[%dma_start3A_127, %mul3A_2, %dma_start3A_131] : memref<7x256x8827xf32, #tpu.memory_space<hbm>> -> memref<1x8x8827xf32, #tpu.memory_space<hbm>>
    %dma_start3A_133 = tpu.memref_squeeze %dma_start3A_132 : memref<1x8x8827xf32, #tpu.memory_space<hbm>> -> memref<8x8827xf32, #tpu.memory_space<hbm>>
    tpu.enqueue_dma source(%arg4 : memref<8x8827xf32, #tpu.memory_space<vmem>>) target(%dma_start3A_133 : memref<8x8827xf32, #tpu.memory_space<hbm>>) target_semaphore(%arg6 : memref<!tpu.dma_semaphore, #tpu.memory_space<semaphore_mem>>)
    %dma_wait3A_134 = arith.constant 4 : i32
    %dma_wait3A_135 = arith.constant 0 : i32
    %dma_wait3A_136 = tpu.memref_slice %arg3[%dma_wait3A_134, %mul3A_2, %dma_wait3A_135] : memref<7x256x8827xf32, #tpu.memory_space<hbm>> -> memref<1x8x8827xf32, #tpu.memory_space<hbm>>
    %dma_wait3A_137 = tpu.memref_squeeze %dma_wait3A_136 : memref<1x8x8827xf32, #tpu.memory_space<hbm>> -> memref<8x8827xf32, #tpu.memory_space<hbm>>
    %dma_wait3A_138 = arith.constant 0 : i32
    %dma_wait3A_139 = tpu.memref_slice %arg3[%dma_wait3A_134, %mul3A_2, %dma_wait3A_138] : memref<7x256x8827xf32, #tpu.memory_space<hbm>> -> memref<1x8x8827xf32, #tpu.memory_space<hbm>>
    %dma_wait3A_140 = tpu.memref_squeeze %dma_wait3A_139 : memref<1x8x8827xf32, #tpu.memory_space<hbm>> -> memref<8x8827xf32, #tpu.memory_space<hbm>>
    tpu.wait_dma2 semaphore(%arg6 : memref<!tpu.dma_semaphore, #tpu.memory_space<semaphore_mem>>) src(%arg4 : memref<8x8827xf32, #tpu.memory_space<vmem>>) dst(%dma_wait3A_140 : memref<8x8827xf32, #tpu.memory_space<hbm>>)
    %dma_start3A_141 = arith.constant 5 : i32
    %dma_start3A_142 = arith.constant 0 : i32
    %dma_start3A_143 = tpu.memref_slice %arg2[%dma_start3A_141, %mul3A_2, %dma_start3A_142] : memref<7x256x8827xf32, #tpu.memory_space<hbm>> -> memref<1x8x8827xf32, #tpu.memory_space<hbm>>
    %dma_start3A_144 = tpu.memref_squeeze %dma_start3A_143 : memref<1x8x8827xf32, #tpu.memory_space<hbm>> -> memref<8x8827xf32, #tpu.memory_space<hbm>>
    %dma_start3A_145 = arith.constant 0 : i32
    %dma_start3A_146 = tpu.memref_slice %arg2[%dma_start3A_141, %mul3A_2, %dma_start3A_145] : memref<7x256x8827xf32, #tpu.memory_space<hbm>> -> memref<1x8x8827xf32, #tpu.memory_space<hbm>>
    %dma_start3A_147 = tpu.memref_squeeze %dma_start3A_146 : memref<1x8x8827xf32, #tpu.memory_space<hbm>> -> memref<8x8827xf32, #tpu.memory_space<hbm>>
    tpu.enqueue_dma source(%dma_start3A_147 : memref<8x8827xf32, #tpu.memory_space<hbm>>) target(%arg4 : memref<8x8827xf32, #tpu.memory_space<vmem>>) target_semaphore(%arg5 : memref<!tpu.dma_semaphore, #tpu.memory_space<semaphore_mem>>)
    %dma_wait3A_148 = arith.constant 5 : i32
    %dma_wait3A_149 = arith.constant 0 : i32
    %dma_wait3A_150 = tpu.memref_slice %arg2[%dma_wait3A_148, %mul3A_2, %dma_wait3A_149] : memref<7x256x8827xf32, #tpu.memory_space<hbm>> -> memref<1x8x8827xf32, #tpu.memory_space<hbm>>
    %dma_wait3A_151 = tpu.memref_squeeze %dma_wait3A_150 : memref<1x8x8827xf32, #tpu.memory_space<hbm>> -> memref<8x8827xf32, #tpu.memory_space<hbm>>
    %dma_wait3A_152 = arith.constant 0 : i32
    %dma_wait3A_153 = tpu.memref_slice %arg2[%dma_wait3A_148, %mul3A_2, %dma_wait3A_152] : memref<7x256x8827xf32, #tpu.memory_space<hbm>> -> memref<1x8x8827xf32, #tpu.memory_space<hbm>>
    %dma_wait3A_154 = tpu.memref_squeeze %dma_wait3A_153 : memref<1x8x8827xf32, #tpu.memory_space<hbm>> -> memref<8x8827xf32, #tpu.memory_space<hbm>>
    tpu.wait_dma2 semaphore(%arg5 : memref<!tpu.dma_semaphore, #tpu.memory_space<semaphore_mem>>) src(%dma_wait3A_154 : memref<8x8827xf32, #tpu.memory_space<hbm>>) dst(%arg4 : memref<8x8827xf32, #tpu.memory_space<vmem>>)
    %dma_start3A_155 = arith.constant 5 : i32
    %dma_start3A_156 = arith.constant 0 : i32
    %dma_start3A_157 = tpu.memref_slice %arg3[%dma_start3A_155, %mul3A_2, %dma_start3A_156] : memref<7x256x8827xf32, #tpu.memory_space<hbm>> -> memref<1x8x8827xf32, #tpu.memory_space<hbm>>
    %dma_start3A_158 = tpu.memref_squeeze %dma_start3A_157 : memref<1x8x8827xf32, #tpu.memory_space<hbm>> -> memref<8x8827xf32, #tpu.memory_space<hbm>>
    %dma_start3A_159 = arith.constant 0 : i32
    %dma_start3A_160 = tpu.memref_slice %arg3[%dma_start3A_155, %mul3A_2, %dma_start3A_159] : memref<7x256x8827xf32, #tpu.memory_space<hbm>> -> memref<1x8x8827xf32, #tpu.memory_space<hbm>>
    %dma_start3A_161 = tpu.memref_squeeze %dma_start3A_160 : memref<1x8x8827xf32, #tpu.memory_space<hbm>> -> memref<8x8827xf32, #tpu.memory_space<hbm>>
    tpu.enqueue_dma source(%arg4 : memref<8x8827xf32, #tpu.memory_space<vmem>>) target(%dma_start3A_161 : memref<8x8827xf32, #tpu.memory_space<hbm>>) target_semaphore(%arg6 : memref<!tpu.dma_semaphore, #tpu.memory_space<semaphore_mem>>)
    %dma_wait3A_162 = arith.constant 5 : i32
    %dma_wait3A_163 = arith.constant 0 : i32
    %dma_wait3A_164 = tpu.memref_slice %arg3[%dma_wait3A_162, %mul3A_2, %dma_wait3A_163] : memref<7x256x8827xf32, #tpu.memory_space<hbm>> -> memref<1x8x8827xf32, #tpu.memory_space<hbm>>
    %dma_wait3A_165 = tpu.memref_squeeze %dma_wait3A_164 : memref<1x8x8827xf32, #tpu.memory_space<hbm>> -> memref<8x8827xf32, #tpu.memory_space<hbm>>
    %dma_wait3A_166 = arith.constant 0 : i32
    %dma_wait3A_167 = tpu.memref_slice %arg3[%dma_wait3A_162, %mul3A_2, %dma_wait3A_166] : memref<7x256x8827xf32, #tpu.memory_space<hbm>> -> memref<1x8x8827xf32, #tpu.memory_space<hbm>>
    %dma_wait3A_168 = tpu.memref_squeeze %dma_wait3A_167 : memref<1x8x8827xf32, #tpu.memory_space<hbm>> -> memref<8x8827xf32, #tpu.memory_space<hbm>>
    tpu.wait_dma2 semaphore(%arg6 : memref<!tpu.dma_semaphore, #tpu.memory_space<semaphore_mem>>) src(%arg4 : memref<8x8827xf32, #tpu.memory_space<vmem>>) dst(%dma_wait3A_168 : memref<8x8827xf32, #tpu.memory_space<hbm>>)
    %dma_start3A_169 = arith.constant 6 : i32
    %dma_start3A_170 = arith.constant 0 : i32
    %dma_start3A_171 = tpu.memref_slice %arg2[%dma_start3A_169, %mul3A_2, %dma_start3A_170] : memref<7x256x8827xf32, #tpu.memory_space<hbm>> -> memref<1x8x8827xf32, #tpu.memory_space<hbm>>
    %dma_start3A_172 = tpu.memref_squeeze %dma_start3A_171 : memref<1x8x8827xf32, #tpu.memory_space<hbm>> -> memref<8x8827xf32, #tpu.memory_space<hbm>>
    %dma_start3A_173 = arith.constant 0 : i32
    %dma_start3A_174 = tpu.memref_slice %arg2[%dma_start3A_169, %mul3A_2, %dma_start3A_173] : memref<7x256x8827xf32, #tpu.memory_space<hbm>> -> memref<1x8x8827xf32, #tpu.memory_space<hbm>>
    %dma_start3A_175 = tpu.memref_squeeze %dma_start3A_174 : memref<1x8x8827xf32, #tpu.memory_space<hbm>> -> memref<8x8827xf32, #tpu.memory_space<hbm>>
    tpu.enqueue_dma source(%dma_start3A_175 : memref<8x8827xf32, #tpu.memory_space<hbm>>) target(%arg4 : memref<8x8827xf32, #tpu.memory_space<vmem>>) target_semaphore(%arg5 : memref<!tpu.dma_semaphore, #tpu.memory_space<semaphore_mem>>)
    %dma_wait3A_176 = arith.constant 6 : i32
    %dma_wait3A_177 = arith.constant 0 : i32
    %dma_wait3A_178 = tpu.memref_slice %arg2[%dma_wait3A_176, %mul3A_2, %dma_wait3A_177] : memref<7x256x8827xf32, #tpu.memory_space<hbm>> -> memref<1x8x8827xf32, #tpu.memory_space<hbm>>
    %dma_wait3A_179 = tpu.memref_squeeze %dma_wait3A_178 : memref<1x8x8827xf32, #tpu.memory_space<hbm>> -> memref<8x8827xf32, #tpu.memory_space<hbm>>
    %dma_wait3A_180 = arith.constant 0 : i32
    %dma_wait3A_181 = tpu.memref_slice %arg2[%dma_wait3A_176, %mul3A_2, %dma_wait3A_180] : memref<7x256x8827xf32, #tpu.memory_space<hbm>> -> memref<1x8x8827xf32, #tpu.memory_space<hbm>>
    %dma_wait3A_182 = tpu.memref_squeeze %dma_wait3A_181 : memref<1x8x8827xf32, #tpu.memory_space<hbm>> -> memref<8x8827xf32, #tpu.memory_space<hbm>>
    tpu.wait_dma2 semaphore(%arg5 : memref<!tpu.dma_semaphore, #tpu.memory_space<semaphore_mem>>) src(%dma_wait3A_182 : memref<8x8827xf32, #tpu.memory_space<hbm>>) dst(%arg4 : memref<8x8827xf32, #tpu.memory_space<vmem>>)
    %dma_start3A_183 = arith.constant 6 : i32
    %dma_start3A_184 = arith.constant 0 : i32
    %dma_start3A_185 = tpu.memref_slice %arg3[%dma_start3A_183, %mul3A_2, %dma_start3A_184] : memref<7x256x8827xf32, #tpu.memory_space<hbm>> -> memref<1x8x8827xf32, #tpu.memory_space<hbm>>
    %dma_start3A_186 = tpu.memref_squeeze %dma_start3A_185 : memref<1x8x8827xf32, #tpu.memory_space<hbm>> -> memref<8x8827xf32, #tpu.memory_space<hbm>>
    %dma_start3A_187 = arith.constant 0 : i32
    %dma_start3A_188 = tpu.memref_slice %arg3[%dma_start3A_183, %mul3A_2, %dma_start3A_187] : memref<7x256x8827xf32, #tpu.memory_space<hbm>> -> memref<1x8x8827xf32, #tpu.memory_space<hbm>>
    %dma_start3A_189 = tpu.memref_squeeze %dma_start3A_188 : memref<1x8x8827xf32, #tpu.memory_space<hbm>> -> memref<8x8827xf32, #tpu.memory_space<hbm>>
    tpu.enqueue_dma source(%arg4 : memref<8x8827xf32, #tpu.memory_space<vmem>>) target(%dma_start3A_189 : memref<8x8827xf32, #tpu.memory_space<hbm>>) target_semaphore(%arg6 : memref<!tpu.dma_semaphore, #tpu.memory_space<semaphore_mem>>)
    %dma_wait3A_190 = arith.constant 6 : i32
    %dma_wait3A_191 = arith.constant 0 : i32
    %dma_wait3A_192 = tpu.memref_slice %arg3[%dma_wait3A_190, %mul3A_2, %dma_wait3A_191] : memref<7x256x8827xf32, #tpu.memory_space<hbm>> -> memref<1x8x8827xf32, #tpu.memory_space<hbm>>
    %dma_wait3A_193 = tpu.memref_squeeze %dma_wait3A_192 : memref<1x8x8827xf32, #tpu.memory_space<hbm>> -> memref<8x8827xf32, #tpu.memory_space<hbm>>
    %dma_wait3A_194 = arith.constant 0 : i32
    %dma_wait3A_195 = tpu.memref_slice %arg3[%dma_wait3A_190, %mul3A_2, %dma_wait3A_194] : memref<7x256x8827xf32, #tpu.memory_space<hbm>> -> memref<1x8x8827xf32, #tpu.memory_space<hbm>>
    %dma_wait3A_196 = tpu.memref_squeeze %dma_wait3A_195 : memref<1x8x8827xf32, #tpu.memory_space<hbm>> -> memref<8x8827xf32, #tpu.memory_space<hbm>>
    tpu.wait_dma2 semaphore(%arg6 : memref<!tpu.dma_semaphore, #tpu.memory_space<semaphore_mem>>) src(%arg4 : memref<8x8827xf32, #tpu.memory_space<vmem>>) dst(%dma_wait3A_196 : memref<8x8827xf32, #tpu.memory_space<hbm>>)
    return
  }
}

module attributes {stable_mosaic.version = 14 : i64} {
  func.func @_lambda_(%arg0: i32, %arg1: i32, %arg2: memref<1x7x32x128xf32, #tpu.memory_space<vmem>>, %arg3: memref<1x256x32x128xf32, #tpu.memory_space<vmem>>, %arg4: memref<8x256xf32, #tpu.memory_space<vmem>>, %arg5: memref<8x256xf32, #tpu.memory_space<vmem>>, %arg6: memref<8x128xf32, #tpu.memory_space<vmem>>) attributes {dimension_semantics = [#tpu.dimension_semantics<arbitrary>, #tpu.dimension_semantics<arbitrary>], iteration_bounds = array<i64: 8, 4>, scalar_prefetch = 0 : i64, scratch_operands = 2 : i64, tpu.core_type = #tpu.core_type<tc>, window_params = [{transform_indices = @transform_0, window_bounds = array<i64: 1, 7, 32, 128>}, {transform_indices = @transform_1, window_bounds = array<i64: 1, 256, 32, 128>}, {pipeline_mode = #tpu.pipeline_mode<synchronous>, transform_indices = @transform_2, window_bounds = array<i64: 8, 256>}]} {
    %eq3A = arith.constant 0 : i32
    %eq3A_0 = arith.cmpi eq, %arg0, %eq3A : i32
    %eq3A_1 = arith.constant 0 : i32
    %eq3A_2 = arith.cmpi eq, %arg1, %eq3A_1 : i32
    %and3A = arith.andi %eq3A_0, %eq3A_2 : i1
    %convert_element_type3A = arith.extui %and3A : i1 to i32
    %cond3A = arith.constant 0 : i32
    %cond3A_3 = arith.cmpi ne, %convert_element_type3A, %cond3A : i32
    scf.if %cond3A_3 {
      %broadcast_in_dim3A_83 = arith.constant 0.000000e+00 : f32
      %broadcast_in_dim3A_84 = vector.broadcast %broadcast_in_dim3A_83 : f32 to vector<8x256xf32>
      %swap3A_85 = arith.constant 0 : index
      %swap3A_86 = arith.constant 0 : index
      %swap3A_87 = vector.load %arg5[%swap3A_85, %swap3A_86] : memref<8x256xf32, #tpu.memory_space<vmem>>, vector<8x256xf32>
      tpu.vector_store %arg5[%swap3A_85, %swap3A_86], %broadcast_in_dim3A_84 {strides = array<i32>} : memref<8x256xf32, #tpu.memory_space<vmem>>, vector<8x256xf32>,
      %broadcast_in_dim3A_88 = arith.constant 0.000000e+00 : f32
      %broadcast_in_dim3A_89 = vector.broadcast %broadcast_in_dim3A_88 : f32 to vector<8x128xf32>
      %swap3A_90 = arith.constant 0 : index
      %swap3A_91 = arith.constant 0 : index
      %swap3A_92 = vector.load %arg6[%swap3A_90, %swap3A_91] : memref<8x128xf32, #tpu.memory_space<vmem>>, vector<8x128xf32>
      tpu.vector_store %arg6[%swap3A_90, %swap3A_91], %broadcast_in_dim3A_89 {strides = array<i32>} : memref<8x128xf32, #tpu.memory_space<vmem>>, vector<8x128xf32>,
    } else {
    }
    %get3A = arith.constant 0 : index
    %get3A_4 = arith.constant 0 : index
    %get3A_5 = arith.constant 0 : index
    %get3A_6 = arith.constant 0 : index
    %get3A_7 = vector.load %arg2[%get3A, %get3A_4, %get3A_5, %get3A_6] : memref<1x7x32x128xf32, #tpu.memory_space<vmem>>, vector<1x7x32x128xf32>
    %get3A_8 = vector.shape_cast %get3A_7 : vector<1x7x32x128xf32> to vector<7x32x128xf32>
    %slice3A = vector.extract_strided_slice %get3A_8 {offsets = [0, 0, 0], sizes = [1, 32, 128], strides = [1, 1, 1]} : vector<7x32x128xf32> to vector<1x32x128xf32>
    %squeeze3A = vector.shape_cast %slice3A : vector<1x32x128xf32> to vector<32x128xf32>
    %broadcast_in_dim3A = arith.constant 0 : i32
    %broadcast_in_dim3A_9 = vector.broadcast %broadcast_in_dim3A : i32 to vector<32x128xi32>
    %slice3A_10 = vector.extract_strided_slice %get3A_8 {offsets = [1, 0, 0], sizes = [1, 32, 128], strides = [1, 1, 1]} : vector<7x32x128xf32> to vector<1x32x128xf32>
    %squeeze3A_11 = vector.shape_cast %slice3A_10 : vector<1x32x128xf32> to vector<32x128xf32>
    %gt3A = arith.cmpf ogt, %squeeze3A_11, %squeeze3A : vector<32x128xf32>
    %select_n3A = arith.select %gt3A, %squeeze3A_11, %squeeze3A : vector<32x128xi1>, vector<32x128xf32>
    %jit3A = arith.constant 1 : i32
    %broadcast_in_dim3A_12 = vector.broadcast %jit3A : i32 to vector<32x128xi32>
    %select_n3A_13 = arith.select %gt3A, %broadcast_in_dim3A_12, %broadcast_in_dim3A_9 : vector<32x128xi1>, vector<32x128xi32>
    %slice3A_14 = vector.extract_strided_slice %get3A_8 {offsets = [2, 0, 0], sizes = [1, 32, 128], strides = [1, 1, 1]} : vector<7x32x128xf32> to vector<1x32x128xf32>
    %squeeze3A_15 = vector.shape_cast %slice3A_14 : vector<1x32x128xf32> to vector<32x128xf32>
    %gt3A_16 = arith.cmpf ogt, %squeeze3A_15, %select_n3A : vector<32x128xf32>
    %select_n3A_17 = arith.select %gt3A_16, %squeeze3A_15, %select_n3A : vector<32x128xi1>, vector<32x128xf32>
    %jit3A_18 = arith.constant 2 : i32
    %broadcast_in_dim3A_19 = vector.broadcast %jit3A_18 : i32 to vector<32x128xi32>
    %select_n3A_20 = arith.select %gt3A_16, %broadcast_in_dim3A_19, %select_n3A_13 : vector<32x128xi1>, vector<32x128xi32>
    %slice3A_21 = vector.extract_strided_slice %get3A_8 {offsets = [3, 0, 0], sizes = [1, 32, 128], strides = [1, 1, 1]} : vector<7x32x128xf32> to vector<1x32x128xf32>
    %squeeze3A_22 = vector.shape_cast %slice3A_21 : vector<1x32x128xf32> to vector<32x128xf32>
    %gt3A_23 = arith.cmpf ogt, %squeeze3A_22, %select_n3A_17 : vector<32x128xf32>
    %select_n3A_24 = arith.select %gt3A_23, %squeeze3A_22, %select_n3A_17 : vector<32x128xi1>, vector<32x128xf32>
    %jit3A_25 = arith.constant 3 : i32
    %broadcast_in_dim3A_26 = vector.broadcast %jit3A_25 : i32 to vector<32x128xi32>
    %select_n3A_27 = arith.select %gt3A_23, %broadcast_in_dim3A_26, %select_n3A_20 : vector<32x128xi1>, vector<32x128xi32>
    %slice3A_28 = vector.extract_strided_slice %get3A_8 {offsets = [4, 0, 0], sizes = [1, 32, 128], strides = [1, 1, 1]} : vector<7x32x128xf32> to vector<1x32x128xf32>
    %squeeze3A_29 = vector.shape_cast %slice3A_28 : vector<1x32x128xf32> to vector<32x128xf32>
    %gt3A_30 = arith.cmpf ogt, %squeeze3A_29, %select_n3A_24 : vector<32x128xf32>
    %select_n3A_31 = arith.select %gt3A_30, %squeeze3A_29, %select_n3A_24 : vector<32x128xi1>, vector<32x128xf32>
    %jit3A_32 = arith.constant 4 : i32
    %broadcast_in_dim3A_33 = vector.broadcast %jit3A_32 : i32 to vector<32x128xi32>
    %select_n3A_34 = arith.select %gt3A_30, %broadcast_in_dim3A_33, %select_n3A_27 : vector<32x128xi1>, vector<32x128xi32>
    %slice3A_35 = vector.extract_strided_slice %get3A_8 {offsets = [5, 0, 0], sizes = [1, 32, 128], strides = [1, 1, 1]} : vector<7x32x128xf32> to vector<1x32x128xf32>
    %squeeze3A_36 = vector.shape_cast %slice3A_35 : vector<1x32x128xf32> to vector<32x128xf32>
    %gt3A_37 = arith.cmpf ogt, %squeeze3A_36, %select_n3A_31 : vector<32x128xf32>
    %select_n3A_38 = arith.select %gt3A_37, %squeeze3A_36, %select_n3A_31 : vector<32x128xi1>, vector<32x128xf32>
    %jit3A_39 = arith.constant 5 : i32
    %broadcast_in_dim3A_40 = vector.broadcast %jit3A_39 : i32 to vector<32x128xi32>
    %select_n3A_41 = arith.select %gt3A_37, %broadcast_in_dim3A_40, %select_n3A_34 : vector<32x128xi1>, vector<32x128xi32>
    %slice3A_42 = vector.extract_strided_slice %get3A_8 {offsets = [6, 0, 0], sizes = [1, 32, 128], strides = [1, 1, 1]} : vector<7x32x128xf32> to vector<1x32x128xf32>
    %squeeze3A_43 = vector.shape_cast %slice3A_42 : vector<1x32x128xf32> to vector<32x128xf32>
    %gt3A_44 = arith.cmpf ogt, %squeeze3A_43, %select_n3A_38 : vector<32x128xf32>
    %jit3A_45 = arith.constant 6 : i32
    %broadcast_in_dim3A_46 = vector.broadcast %jit3A_45 : i32 to vector<32x128xi32>
    %select_n3A_47 = arith.select %gt3A_44, %broadcast_in_dim3A_46, %select_n3A_41 : vector<32x128xi1>, vector<32x128xi32>
    %iota3A = tpu.iota {dimensions = array<i32: 0>} : vector<8x32x128xi32>
    %broadcast_in_dim3A_48 = vector.shape_cast %select_n3A_47 : vector<32x128xi32> to vector<1x32x128xi32>
    %eq3A_49 = vector.broadcast %broadcast_in_dim3A_48 : vector<1x32x128xi32> to vector<8x32x128xi32>
    %eq3A_50 = arith.cmpi eq, %iota3A, %eq3A_49 : vector<8x32x128xi32>
    %convert_element_type3A_51 = arith.extui %eq3A_50 : vector<8x32x128xi1> to vector<8x32x128xi32>
    %convert_element_type3A_52 = arith.sitofp %convert_element_type3A_51 : vector<8x32x128xi32> to vector<8x32x128xf32>
    %get3A_53 = arith.constant 0 : index
    %get3A_54 = arith.constant 0 : index
    %get3A_55 = arith.constant 0 : index
    %get3A_56 = arith.constant 0 : index
    %get3A_57 = vector.load %arg3[%get3A_53, %get3A_54, %get3A_55, %get3A_56] : memref<1x256x32x128xf32, #tpu.memory_space<vmem>>, vector<1x256x32x128xf32>
    %get3A_58 = vector.shape_cast %get3A_57 : vector<1x256x32x128xf32> to vector<256x32x128xf32>
    %reshape3A = vector.shape_cast %convert_element_type3A_52 : vector<8x32x128xf32> to vector<8x4096xf32>
    %reshape3A_59 = vector.shape_cast %get3A_58 : vector<256x32x128xf32> to vector<256x4096xf32>
    %get3A_60 = arith.constant 0 : index
    %get3A_61 = arith.constant 0 : index
    %get3A_62 = vector.load %arg5[%get3A_60, %get3A_61] : memref<8x256xf32, #tpu.memory_space<vmem>>, vector<8x256xf32>
    %dot_general3A = arith.constant dense<0.000000e+00> : vector<8x256xf32>
    %dot_general3A_63 = tpu.matmul %reshape3A, %reshape3A_59, %dot_general3A {dimension_numbers = #tpu.dot_dimension_numbers<[1], [1], [0], [0], [0, 0, 1, 0], [], []>, transpose_lhs_hint = false} : vector<8x4096xf32>, vector<256x4096xf32>, vector<8x256xf32> -> vector<8x256xf32>
    %add3A = arith.addf %get3A_62, %dot_general3A_63 : vector<8x256xf32>
    %swap3A = arith.constant 0 : index
    %swap3A_64 = arith.constant 0 : index
    %swap3A_65 = vector.load %arg5[%swap3A, %swap3A_64] : memref<8x256xf32, #tpu.memory_space<vmem>>, vector<8x256xf32>
    tpu.vector_store %arg5[%swap3A, %swap3A_64], %add3A {strides = array<i32>} : memref<8x256xf32, #tpu.memory_space<vmem>>, vector<8x256xf32>,
    %get3A_66 = arith.constant 0 : index
    %get3A_67 = arith.constant 0 : index
    %get3A_68 = vector.load %arg6[%get3A_66, %get3A_67] : memref<8x128xf32, #tpu.memory_space<vmem>>, vector<8x1xf32>
    %reduce_sum3A = arith.constant dense<0.000000e+00> : vector<8xf32>
    %reduce_sum3A_69 = vector.multi_reduction <add>, %reshape3A, %reduce_sum3A [1] : vector<8x4096xf32> to vector<8xf32>
    %broadcast_in_dim3A_70 = vector.shape_cast %reduce_sum3A_69 : vector<8xf32> to vector<8x1xf32>
    %add3A_71 = arith.addf %get3A_68, %broadcast_in_dim3A_70 : vector<8x1xf32>
    %swap3A_72 = arith.constant 0 : index
    %swap3A_73 = arith.constant 0 : index
    %swap3A_74 = vector.load %arg6[%swap3A_72, %swap3A_73] : memref<8x128xf32, #tpu.memory_space<vmem>>, vector<8x1xf32>
    tpu.vector_store %arg6[%swap3A_72, %swap3A_73], %add3A_71 {strides = array<i32>} : memref<8x128xf32, #tpu.memory_space<vmem>>, vector<8x1xf32>,
    %eq3A_75 = arith.constant 7 : i32
    %eq3A_76 = arith.cmpi eq, %arg0, %eq3A_75 : i32
    %eq3A_77 = arith.constant 3 : i32
    %eq3A_78 = arith.cmpi eq, %arg1, %eq3A_77 : i32
    %and3A_79 = arith.andi %eq3A_76, %eq3A_78 : i1
    %convert_element_type3A_80 = arith.extui %and3A_79 : i1 to i32
    %cond3A_81 = arith.constant 0 : i32
    %cond3A_82 = arith.cmpi ne, %convert_element_type3A_80, %cond3A_81 : i32
    scf.if %cond3A_82 {
      %get3A_83 = arith.constant 0 : index
      %get3A_84 = arith.constant 0 : index
      %get3A_85 = vector.load %arg6[%get3A_83, %get3A_84] : memref<8x128xf32, #tpu.memory_space<vmem>>, vector<8x1xf32>
      %get3A_86 = arith.constant 0 : index
      %get3A_87 = arith.constant 0 : index
      %get3A_88 = vector.load %arg5[%get3A_86, %get3A_87] : memref<8x256xf32, #tpu.memory_space<vmem>>, vector<8x256xf32>
      %max3A = arith.constant 1.000000e+00 : f32
      %max3A_89 = vector.broadcast %max3A : f32 to vector<8x1xf32>
      %max3A_90 = arith.maximumf %get3A_85, %max3A_89 : vector<8x1xf32>
      %div3A = vector.broadcast %max3A_90 : vector<8x1xf32> to vector<8x256xf32>
      %div3A_91 = arith.divf %get3A_88, %div3A : vector<8x256xf32>
      %mul3A = arith.mulf %div3A_91, %div3A_91 : vector<8x256xf32>
      %reduce_sum3A_92 = arith.constant dense<0.000000e+00> : vector<8xf32>
      %reduce_sum3A_93 = vector.multi_reduction <add>, %mul3A, %reduce_sum3A_92 [1] : vector<8x256xf32> to vector<8xf32>
      %broadcast_in_dim3A_94 = vector.shape_cast %reduce_sum3A_93 : vector<8xf32> to vector<8x1xf32>
      %sqrt3A = math.sqrt %broadcast_in_dim3A_94 : vector<8x1xf32>
      %max3A_95 = arith.constant 9.99999996E-13 : f32
      %max3A_96 = vector.broadcast %max3A_95 : f32 to vector<8x1xf32>
      %max3A_97 = arith.maximumf %sqrt3A, %max3A_96 : vector<8x1xf32>
      %div3A_98 = vector.broadcast %max3A_97 : vector<8x1xf32> to vector<8x256xf32>
      %div3A_99 = arith.divf %div3A_91, %div3A_98 : vector<8x256xf32>
      %swap3A_100 = arith.constant 0 : index
      %swap3A_101 = arith.constant 0 : index
      %swap3A_102 = vector.load %arg4[%swap3A_100, %swap3A_101] : memref<8x256xf32, #tpu.memory_space<vmem>>, vector<8x256xf32>
      tpu.vector_store %arg4[%swap3A_100, %swap3A_101], %div3A_99 {strides = array<i32>} : memref<8x256xf32, #tpu.memory_space<vmem>>, vector<8x256xf32>,
    } else {
    }
    return
  }
  func.func @transform_0(%arg0: i32, %arg1: i32) -> (i32, i32, i32, i32) {
    %c0_i32 = arith.constant 0 : i32
    %c0_i32_0 = arith.constant 0 : i32
    %c0_i32_1 = arith.constant 0 : i32
    return %arg0, %c0_i32, %arg1, %c0_i32_0 : i32, i32, i32, i32
  }
  func.func @transform_1(%arg0: i32, %arg1: i32) -> (i32, i32, i32, i32) {
    %c0_i32 = arith.constant 0 : i32
    %c0_i32_0 = arith.constant 0 : i32
    %c0_i32_1 = arith.constant 0 : i32
    return %arg0, %c0_i32, %arg1, %c0_i32_0 : i32, i32, i32, i32
  }
  func.func @transform_2(%arg0: i32, %arg1: i32) -> (i32, i32) {
    %c0_i32 = arith.constant 0 : i32
    %c0_i32_0 = arith.constant 0 : i32
    %c0_i32_1 = arith.constant 0 : i32
    return %c0_i32, %c0_i32_0 : i32, i32
  }
}

module attributes {stable_mosaic.version = 14 : i64} {
  func.func @_col_body(%arg0: i32, %arg1: memref<1x256x7xf32, #tpu.memory_space<vmem>>, %arg2: memref<1x256x128xf32, #tpu.memory_space<vmem>>, %arg3: memref<1x256x128xf32, #tpu.memory_space<vmem>>) attributes {dimension_semantics = [#tpu.dimension_semantics<arbitrary>], iteration_bounds = array<i64: 7>, scalar_prefetch = 0 : i64, scratch_operands = 0 : i64, tpu.core_type = #tpu.core_type<tc>, window_params = [{pipeline_mode = #tpu.pipeline_mode<synchronous>, transform_indices = @transform_0, window_bounds = array<i64: 1, 256, 7>}, {transform_indices = @transform_1, window_bounds = array<i64: 1, 256, 128>}, {transform_indices = @transform_2, window_bounds = array<i64: 1, 256, 128>}]} {
    %get3A = arith.constant 0 : index
    %get3A_0 = arith.constant 0 : index
    %get3A_1 = arith.constant 0 : index
    %get3A_2 = vector.load %arg2[%get3A, %get3A_0, %get3A_1] : memref<1x256x128xf32, #tpu.memory_space<vmem>>, vector<1x256x128xf32>
    %get3A_3 = vector.shape_cast %get3A_2 : vector<1x256x128xf32> to vector<256x128xf32>
    %get3A_4 = arith.constant 0 : index
    %get3A_5 = arith.constant 0 : index
    %get3A_6 = arith.constant 0 : index
    %get3A_7 = vector.load %arg1[%get3A_4, %get3A_5, %get3A_6] : memref<1x256x7xf32, #tpu.memory_space<vmem>>, vector<1x256x7xf32>
    %get3A_8 = vector.shape_cast %get3A_7 : vector<1x256x7xf32> to vector<256x7xf32>
    %iota3A = tpu.iota {dimensions = array<i32: 1>} : vector<256x7xi32>
    %eq3A = vector.broadcast %arg0 : i32 to vector<256x7xi32>
    %eq3A_9 = arith.cmpi eq, %iota3A, %eq3A : vector<256x7xi32>
    %jit3A = arith.constant 0.000000e+00 : f32
    %broadcast_in_dim3A = vector.broadcast %jit3A : f32 to vector<256x7xf32>
    %select_n3A = arith.select %eq3A_9, %get3A_8, %broadcast_in_dim3A : vector<256x7xi1>, vector<256x7xf32>
    %reduce_sum3A = arith.constant dense<0.000000e+00> : vector<256xf32>
    %reduce_sum3A_10 = vector.multi_reduction <add>, %select_n3A, %reduce_sum3A [1] : vector<256x7xf32> to vector<256xf32>
    %broadcast_in_dim3A_11 = vector.shape_cast %reduce_sum3A_10 : vector<256xf32> to vector<256x1xf32>
    %iota3A_12 = tpu.iota {dimensions = array<i32: 1>} : vector<256x128xi32>
    %eq3A_13 = arith.constant 0 : i32
    %eq3A_14 = vector.broadcast %eq3A_13 : i32 to vector<256x128xi32>
    %eq3A_15 = arith.cmpi eq, %iota3A_12, %eq3A_14 : vector<256x128xi32>
    %broadcast_in_dim3A_16 = vector.shape_cast %broadcast_in_dim3A_11 : vector<256x1xf32> to vector<256x1xf32>
    %broadcast_in_dim3A_17 = vector.broadcast %broadcast_in_dim3A_16 : vector<256x1xf32> to vector<256x128xf32>
    %select_n3A_18 = arith.select %eq3A_15, %broadcast_in_dim3A_17, %get3A_3 : vector<256x128xi1>, vector<256x128xf32>
    %swap3A = arith.constant 0 : index
    %swap3A_19 = arith.constant 0 : index
    %swap3A_20 = arith.constant 0 : index
    %swap3A_21 = vector.load %arg3[%swap3A, %swap3A_19, %swap3A_20] : memref<1x256x128xf32, #tpu.memory_space<vmem>>, vector<1x256x128xf32>
    %swap3A_22 = vector.shape_cast %swap3A_21 : vector<1x256x128xf32> to vector<256x128xf32>
    %swap3A_23 = vector.shape_cast %select_n3A_18 : vector<256x128xf32> to vector<1x256x128xf32>
    tpu.vector_store %arg3[%swap3A, %swap3A_19, %swap3A_20], %swap3A_23 {strides = array<i32>} : memref<1x256x128xf32, #tpu.memory_space<vmem>>, vector<1x256x128xf32>,
    return
  }
  func.func @transform_0(%arg0: i32) -> (i32, i32, i32) {
    %c0_i32 = arith.constant 0 : i32
    %c0_i32_0 = arith.constant 0 : i32
    %c0_i32_1 = arith.constant 0 : i32
    %c0_i32_2 = arith.constant 0 : i32
    return %c0_i32, %c0_i32_0, %c0_i32_1 : i32, i32, i32
  }
  func.func @transform_1(%arg0: i32) -> (i32, i32, i32) {
    %c0_i32 = arith.constant 0 : i32
    %c0_i32_0 = arith.constant 0 : i32
    %c0_i32_1 = arith.constant 0 : i32
    return %arg0, %c0_i32, %c0_i32_0 : i32, i32, i32
  }
  func.func @transform_2(%arg0: i32) -> (i32, i32, i32) {
    %c0_i32 = arith.constant 0 : i32
    %c0_i32_0 = arith.constant 0 : i32
    %c0_i32_1 = arith.constant 0 : i32
    return %arg0, %c0_i32, %c0_i32_0 : i32, i32, i32
  }
}

</mosaic_0001>

<sc_bundles>
// kernel: kernel.5.cloned.1.call-start
scs
__scs_entry_jumppad:
0x0: {  	(pc) =	sbr.rel $0x88, $3  }
0x1: {  	(tag) =	ssettag $0x0;
	lr =	simm.s32 $0x1  }
0x2: {  	[smem:$0x3F9E] =	sst lr;
	_ =	strace $0xD0000000  }
0x3: {  	_ = 	snop  }
0x4: {  	_ = 	snop  }
0x5: {  	_ = 	snop  }
0x6: {  	_ = 	snop  }
0x7: {  	_ = 	snop  }
__scs_overlays_trampoline_lowered:
0x8: {  	[smem:$0x3FAD] =	sst s0  }
0x9: {  	[smem:$0x3FAE] =	sst s1  }
0xa: {  	[smem:$0x3FAF] =	sst s2  }
0xb: {  	[smem:$0x3FB0] =	sst s3  }
0xc: {  	[smem:$0x3FB1] =	sst s4  }
0xd: {  	[smem:$0x3FB2] =	sst s5  }
0xe: {  	[smem:$0x3FB3] =	sst s6  }
0xf: {  	[smem:$0x3FB4] =	sst s7  }
0x10: {  	[smem:$0x3FB5] =	sst s8  }
0x11: {  	[smem:$0x3FB6] =	sst s9;
	s0 =	simm.s32 @!p0 $0x0  }
0x12: {  	s1 =	sld [smem:$0x3F9C];
	s0 =	simm.s32 @p0 $0x1  }
0x13: {  	[smem:$0x3FB7] =	sst s0;
	s0 =	simm.s32 @!p1 $0x0  }
0x14: {  	s2 =	sld [smem:$0x3F9B];
	s0 =	simm.s32 @p1 $0x1  }
0x15: {  	[smem:$0x3FB8] =	sst s0;
	s0 =	simm.s32 @!p2 $0x0  }
0x16: {  	s3 =	sld [smem:$0x3FDB];
	s0 =	simm.s32 @p2 $0x1  }
0x17: {  	s4 =	simm.s32 $0x1BF5;
	[smem:$0x3FBA] =	sst s0  }
0x18: {  	s0 =	sld [smem:$0x3F9D];
	_ =	swait.ge [sflag:s4], $0x0  }
0x19: {  	s7 =	sld [smem:$0x3F9E]  }
0x1a: {  	s8 =	sadd.s32 $0xFFFFE003, lr  }
0x1b: {  	s9 =	sadd.s32 $0xFFFFFEF7, lr;
	s5 =	simm.s32 $0xFFFFFFFF;
	p2 =	slt.u32 s8, $0xFFFFF086  }
0x1c: {  	p1 =	slt.u32 s9, $0xF7A;
	s5 =	simm.s32 @!p2 $0x0  }
0x1d: {  	s5 =	simm.s32 @p1 $0x1;
	p0 =	seq.s32 s7, s2  }
0x1e: {  	s7 =	smul.u32 @!p0 $0xF7A, s2;
	p2 =	seq.s32 @!p0 s5, $0x0  }
0x1f: {  	s9 =	smul.u32 $0xF7A, s1;
	s8 =	simm.s32 @!p0 $0x1BF5;
	p2 =	por !p2, p0  }
0x20: {  	[sflag:s8] =	ssyncset.s32 @!p0 $0xFFFFF086;
	s6 =	sadd.s32 @!p0 s3, s7;
	s7 =	simm.s32 @!p0 $0x108  }
0x21: {  	s3 =	sadd.s32 s3, s9;
	s6 =	sadd.s32 @!p0 $0x88, s6;
	s7 =	simm.s32 @p2 $0x1082  }
0x22: {  	[simem:s7], [sflag:s8] =	dma.local @!p0 [hbm:s6], $0xF7A  }
0x23: {  	s9 =	sor.u32 $0xD0000000, s2;
	s6 =	simm.s32 $0x108;
	_ =	swait.ge @!p0 [sflag:s8], $0x0  }
0x24: {  	s3 =	sadd.s32 $0x88, s3;
	s6 =	simm.s32 @!p1 $0x1082;
	[sflag:s4] =	ssyncset.s32 $0xFFFFF086  }
0x25: {  	[simem:s6], [sflag:s4] =	dma.local [hbm:s3], $0xF7A  }
0x26: {  	[smem:$0x3F9E] =	sst s1;
	(tag) =	ssettag s2;
	_ =	strace s9  }
0x27: {  	s1 =	sld [smem:$0x3FAE]  }
0x28: {  	s2 =	sld [smem:$0x3FAF]  }
0x29: {  	s4 =	sld [smem:$0x3FB1]  }
0x2a: {  	p0 =	seq.s32 s5, $0x0;
	s5 =	sld [smem:$0x3FB2]  }
0x2b: {  	s6 =	sld [smem:$0x3FB3]  }
0x2c: {  	s7 =	sld [smem:$0x3FB4]  }
0x2d: {  	s3 =	simm.s32 $0x108;
	s8 =	sld [smem:$0x3FB5]  }
0x2e: {  	s3 =	simm.s32 @!p0 $0x1082;
	s9 =	sld [smem:$0x3FB6]  }
0x2f: {  	lr =	sadd.s32 s0, s3;
	s0 =	sld [smem:$0x3FAD]  }
0x30: {  	s3 =	sld [smem:$0x3FB0]  }
0x31: {  	[smem:$0x3FB9] =	sst s10  }
0x32: {  	s10 =	sld [smem:$0x3FB7];
	_ =	sdelay $0x3  }
0x33: {  	p0 =	seq.s32 s10, $0x1;
	s10 =	sld [smem:$0x3FB9];
	_ =	sdelay $0x3  }
0x34: {  	[smem:$0x3FB9] =	sst s10  }
0x35: {  	s10 =	sld [smem:$0x3FB8];
	_ =	sdelay $0x3  }
0x36: {  	p1 =	seq.s32 s10, $0x1;
	s10 =	sld [smem:$0x3FB9];
	_ =	sdelay $0x3  }
0x37: {  	[smem:$0x3FB9] =	sst s10  }
0x38: {  	s10 =	sld [smem:$0x3FBA]  }
0x39: {  	_ = 	snop;
	(pc) =	sbr.ind lr, $3  }
0x3a: {  	_ = 	snop  }
0x3b: {  	_ = 	snop  }
0x3c: {  	p2 =	seq.s32 s10, $0x1;
	s10 =	sld [smem:$0x3FB9]  }
0x3d: {  	_ =	shalt  }
0x3e: {  	_ =	shalt  }
0x3f: {  	_ =	shalt  }
0x40: {  	_ =	shalt  }
0x41: {  	_ =	shalt  }
0x42: {  	_ =	shalt  }
0x43: {  	_ =	shalt  }
0x44: {  	_ =	shalt  }
0x45: {  	_ =	shalt  }
0x46: {  	_ =	shalt  }
0x47: {  	_ =	shalt  }
0x48: {  	_ =	shalt  }
0x49: {  	_ =	shalt  }
0x4a: {  	_ =	shalt  }
0x4b: {  	_ =	shalt  }
0x4c: {  	_ =	shalt  }
0x4d: {  	_ =	shalt  }
0x4e: {  	_ =	shalt  }
0x4f: {  	_ =	shalt  }
0x50: {  	_ =	shalt  }
0x51: {  	_ =	shalt  }
0x52: {  	_ =	shalt  }
0x53: {  	_ =	shalt  }
0x54: {  	_ =	shalt  }
0x55: {  	_ =	shalt  }
0x56: {  	_ =	shalt  }
0x57: {  	_ =	shalt  }
0x58: {  	_ =	shalt  }
0x59: {  	_ =	shalt  }
0x5a: {  	_ =	shalt  }
0x5b: {  	_ =	shalt  }
0x5c: {  	_ =	shalt  }
0x5d: {  	_ =	shalt  }
0x5e: {  	_ =	shalt  }
0x5f: {  	_ =	shalt  }
0x60: {  	_ =	shalt  }
0x61: {  	_ =	shalt  }
0x62: {  	_ =	shalt  }
0x63: {  	_ =	shalt  }
0x64: {  	_ =	shalt  }
0x65: {  	_ =	shalt  }
0x66: {  	_ =	shalt  }
0x67: {  	_ =	shalt  }
0x68: {  	_ =	shalt  }
0x69: {  	_ =	shalt  }
0x6a: {  	_ =	shalt  }
0x6b: {  	_ =	shalt  }
0x6c: {  	_ =	shalt  }
0x6d: {  	_ =	shalt  }
0x6e: {  	_ =	shalt  }
0x6f: {  	_ =	shalt  }
0x70: {  	_ =	shalt  }
0x71: {  	_ =	shalt  }
0x72: {  	_ =	shalt  }
0x73: {  	_ =	shalt  }
0x74: {  	_ =	shalt  }
0x75: {  	_ =	shalt  }
0x76: {  	_ =	shalt  }
0x77: {  	_ =	shalt  }
0x78: {  	_ =	shalt  }
0x79: {  	_ =	shalt  }
0x7a: {  	_ =	shalt  }
0x7b: {  	_ =	shalt  }
0x7c: {  	_ =	shalt  }
0x7d: {  	_ =	shalt  }
0x7e: {  	_ =	shalt  }
0x7f: {  	_ =	shalt  }
0x80: {  	_ =	shalt  }
0x81: {  	_ =	shalt  }
0x82: {  	_ =	shalt  }
0x83: {  	_ =	shalt  }
0x84: {  	_ =	shalt  }
0x85: {  	_ =	shalt  }
0x86: {  	_ =	shalt  }
0x87: {  	_ =	shalt  }
.Lfunc_end0:
.L_simem_size_0:
called_computation_lowered:
.L_overlay_start_0:
0x88: {  	s2 =	sld [smem:$0x3FD9]  }
0x89: {  	s3 =	sld [smem:$0x3FFE];
	_ =	sdelay $0x1  }
0x8a: {  	s1 =	srdreg.scid  }
0x8b: {  	s0 =	sand.u32 $0x1, s1  }
0x8c: {  	s15 =	sshll.u32 s0, $0xA;
	s2 =	sadd.s32 s3, s2  }
0x8d: {  	s2 =	sadd.s32 s2, s15  }
0x8e: {  	[smem:$0x3FC5] =	sst s2  }
0x8f: {  	_ = 	snop  }
0x90: {  	s2 =	sld [smem:$0x3FD0];
	_ =	sdelay $0x2  }
0x91: {  	s4 =	simm.s32 $0xA;
	s5 =	simm.s32 $0x10;
	s16 =	sld [smem:$0x3FC7]  }
0x92: {  	[smem:s5], [sflag:s4] =	dma.local [hbm:s2], $0x1  }
0x93: {  	_ =	swait.eq [sflag:s4], $0x1  }
0x94: {  	[sflag:s4] =	ssyncset.done $0x0  }
0x95: {  	[sflag:s4] =	ssyncadd.s32 $0xFFFFFFFF  }
0x96: {  	s17 =	sld [smem:$0x12];
	(tm) =	ssettm $0x1  }
0x97: {  	s18 =	sld [smem:$0x3FFB];
	_ =	sdelay $0x3  }
0x98: {  	_ =	strace s18  }
0x99: {  	s4 =	sld [smem:$0x3FFC];
	_ =	sdelay $0x3  }
0x9a: {  	_ =	strace s4  }
0x9b: {  	s4 =	sld [smem:$0x3FFD];
	_ =	sdelay $0x3  }
0x9c: {  	_ =	strace s4  }
0x9d: {  	_ =	strace $0x8FFFFFFF  }
0x9e: {  	s19 =	sld [smem:$0x3FDB];
	_ =	sdelay $0x1  }
0x9f: {  	s20 =	simm.s32 $_scs_section_size  }
0xa0: {  	s6 =	simm.s32 $_size__tile_overlayer_lowered;
	s7 =	simm.s32 $_tile_overlayer_lowered  }
0xa1: {  	s23 =	simm.s32 $0x1BFF;
	s22 =	sshll.u32 s7, $0x1;
	s4 =	sadd.s32 s20, s19  }
0xa2: {  	s8 =	simm.s32 $0x0;
	s21 =	sshll.u32 s6, $0x1;
	s6 =	sadd.s32 s22, s4  }
0xa3: {  	[timem:s8], [sflag:s23] =	dma.local [hbm:s6], s21  }
0xa4: {  	_ =	swait.ge [sflag:s23], s21  }
0xa5: {  	s5 =	ssub.s32 $0x0, s21;
	[sflag:s23] =	ssyncset.done $0x0  }
0xa6: {  	[sflag:s23] =	ssyncadd.s32 s5;
	_ =	sdelay $0x1  }
0xa7: {  	s24 =	simm.s32 $0x1B8B  }
0xa8: {  	_ =	swait.ge [sflag:s24], $0x1  }
0xa9: {  	[sflag:s24] =	ssyncset.done $0x0  }
0xaa: {  	s25 =	simm.s32 $0x1B8E;
	[sflag:s24] =	ssyncadd.s32 $0xFFFFFFFF  }
0xab: {  	s26 =	simm.s32 $execute0_lowered;
	[smem:$0x3FD2] =	sst s25  }
0xac: {  	s5 =	sshll.u32 s26, $0x1;
	_ =	strace $0x80000046;
	[dreg:$0x1] =	wrdreg $0xFFFFFFFF  }
0xad: {  	s28 =	simm.s32 $_size_execute0_lowered;
	s4 =	sadd.s32 s4, s5;
	[dreg:$0x0] =	wrdreg $0x0  }
0xae: {  	s5 =	sshll.u32 s28, $0x1;
	[dreg:$0x2] =	wrdreg s4  }
0xaf: {  	[dreg:$0x3] =	wrdreg s5  }
0xb0: {  	[dreg:$0x4] =	wrdreg $0xC0  }
0xb1: {  	_ =	task [dreg:s8], $0x5FFFF  }
0xb2: {  	[dreg:$0x1] =	wrdreg $0xFFFFFFFF  }
0xb3: {  	[dreg:$0x0] =	wrdreg $0x60  }
0xb4: {  	[dreg:$0x2] =	wrdreg s16  }
0xb5: {  	[dreg:$0x3] =	wrdreg s17  }
0xb6: {  	[dreg:$0x4] =	wrdreg $0x9  }
0xb7: {  	_ =	task.clear_ibuf [dreg:s8], $0x5FFFF;
	_ =	strace $0x90000046  }
0xb8: {  	s29 =	simm.s32 $0x9;
	_ =	strace $0x80000048  }
0xb9: {  	_ =	swait.ge [sflag:s29], $0x1  }
0xba: {  	[sflag:s29] =	ssyncadd.s32 $0xFFFFFFFF  }
0xbb: {  	_ =	strace $0x90000048  }
0xbc: {  	_ =	sfence  }
0xbd: {  	s30 =	sld [smem:$0x0];
	_ =	sdelay $0x2  }
0xbe: {  	s31 =	sshll.u32 s1, $0xD;
	s1 =	sshrl.u32 s1, $0x2  }
0xbf: {  	s3 =	sand.u32 $0x4000, s31;
	s1 =	sadd.s32 s1, s30  }
0xc0: {  	s0 =	sor.u32 s3, s0;
	s1 =	sshll.u32 s1, $0x11  }
0xc1: {  	s0 =	sor.u32 s1, s0  }
0xc2: {  	s0 =	sadd.s32 $0x8F2B, s0  }
0xc3: {  	[sflag:s0] =	ssyncadd.remote.s32 $0x1  }
0xc4: {  	_ =	sfence.sel $0xFFFF  }
0xc5: {  	[dreg:$0x0] =	wrdreg $0xFFFFFFFF;
	(pc) =	sbr.abs _section_cstart, $3  }
0xc6: {  	[dreg:$0x1] =	wrdreg $0xFFFFFFFF  }
0xc7: {  	_ =	task.clear_ibuf [dreg:s8], $0x2FFFF;
	_ =	strace $0x9FFFFFFF  }
0xc8: {  	(tm) =	ssettm $0x7FFFFFFF  }
0xc9: {  	_ =	shalt  }
tec
execute0_lowered:
.L_overlay_start_1:
0x0: {  	(tag) =	ssettag $0x1  }
0x1: {  	s1 =	srdreg.scid;
	s0 =	stileid.u32  }
0x2: {  	s17 =	sand.u32 $0x1, s1;
	s30 =	sshll.u32 s0, $0x1  }
0x3: {  	s1 =	sor.u32 s17, s30  }
0x4: {  	s19 =	rddreg [dreg:$0x0];
	s3 =	smul.u32 $0x11400, s1  }
0x5: {  	s18 =	rddreg [dreg:$0x1];
	s2 =	simm.s32 $0x0  }
0x6: {  	s4 =	simm.s32 $0x1;
	[smem:$0x7FF] =	sst s2;
	s20 =	sshrl.u32 s3, $0x3  }
0x7: {  	s1 =	rddreg [dreg:$0x2];
	_ =	strace $0x80000047;
	s3 =	sadd.s32 s19, s20  }
0x8: {  	[tilespmem:s2], [sflag:$0x1] =	stream.linear.gather [hbm4b:s3+s2], $0x11400, $0x38;
	[tilespmem:$0x11400] =	vst v63  }
0x9: {  	_ =	swait.ge [sflag:s4], $0x11400  }
0xa: {  	[sflag:s4] =	ssyncset.done $0x0  }
0xb: {  	s5 =	simm.s32 $0x2;
	s6 =	sadd.s32 s18, s20;
	[sflag:s4] =	ssyncadd.s32 $0xFFFEEC00  }
0xc: {  	[hbm4b:s6+s2] =	stream.linear.scatter [tilespmem:s2], [sflag:$0x2], $0x11400, $0x38;
	[tilespmem:$0x11400] =	vst v63  }
0xd: {  	_ =	swait.ge [sflag:s5], $0x11400  }
0xe: {  	s8 =	sadd.s32 $0x45000, s20;
	[sflag:s5] =	ssyncset.done $0x0  }
0xf: {  	s7 =	sadd.s32 s19, s8;
	[sflag:s5] =	ssyncadd.s32 $0xFFFEEC00  }
0x10: {  	[tilespmem:s2], [sflag:$0x1] =	stream.linear.gather [hbm4b:s7+s2], $0x11400, $0x38;
	[tilespmem:$0x11400] =	vst v63  }
0x11: {  	_ =	swait.ge [sflag:s4], $0x11400  }
0x12: {  	[sflag:s4] =	ssyncset.done $0x0  }
0x13: {  	s8 =	sadd.s32 s18, s8;
	[sflag:s4] =	ssyncadd.s32 $0xFFFEEC00  }
0x14: {  	[hbm4b:s8+s2] =	stream.linear.scatter [tilespmem:s2], [sflag:$0x2], $0x11400, $0x38;
	[tilespmem:$0x11400] =	vst v63  }
0x15: {  	_ =	swait.ge [sflag:s5], $0x11400  }
0x16: {  	s10 =	sadd.s32 $0x8A000, s20;
	[sflag:s5] =	ssyncset.done $0x0  }
0x17: {  	s9 =	sadd.s32 s19, s10;
	[sflag:s5] =	ssyncadd.s32 $0xFFFEEC00  }
0x18: {  	[tilespmem:s2], [sflag:$0x1] =	stream.linear.gather [hbm4b:s9+s2], $0x11400, $0x38;
	[tilespmem:$0x11400] =	vst v63  }
0x19: {  	_ =	swait.ge [sflag:s4], $0x11400  }
0x1a: {  	[sflag:s4] =	ssyncset.done $0x0  }
0x1b: {  	s10 =	sadd.s32 s18, s10;
	[sflag:s4] =	ssyncadd.s32 $0xFFFEEC00  }
0x1c: {  	[hbm4b:s10+s2] =	stream.linear.scatter [tilespmem:s2], [sflag:$0x2], $0x11400, $0x38;
	[tilespmem:$0x11400] =	vst v63  }
0x1d: {  	_ =	swait.ge [sflag:s5], $0x11400  }
0x1e: {  	s12 =	sadd.s32 $0xCF000, s20;
	[sflag:s5] =	ssyncset.done $0x0  }
0x1f: {  	s11 =	sadd.s32 s19, s12;
	[sflag:s5] =	ssyncadd.s32 $0xFFFEEC00  }
0x20: {  	[tilespmem:s2], [sflag:$0x1] =	stream.linear.gather [hbm4b:s11+s2], $0x11400, $0x38;
	[tilespmem:$0x11400] =	vst v63  }
0x21: {  	_ =	swait.ge [sflag:s4], $0x11400  }
0x22: {  	[sflag:s4] =	ssyncset.done $0x0  }
0x23: {  	s12 =	sadd.s32 s18, s12;
	[sflag:s4] =	ssyncadd.s32 $0xFFFEEC00  }
0x24: {  	[hbm4b:s12+s2] =	stream.linear.scatter [tilespmem:s2], [sflag:$0x2], $0x11400, $0x38;
	[tilespmem:$0x11400] =	vst v63  }
0x25: {  	_ =	swait.ge [sflag:s5], $0x11400  }
0x26: {  	s14 =	sadd.s32 $0x114000, s20;
	[sflag:s5] =	ssyncset.done $0x0  }
0x27: {  	s13 =	sadd.s32 s19, s14;
	[sflag:s5] =	ssyncadd.s32 $0xFFFEEC00  }
0x28: {  	[tilespmem:s2], [sflag:$0x1] =	stream.linear.gather [hbm4b:s13+s2], $0x11400, $0x38;
	[tilespmem:$0x11400] =	vst v63  }
0x29: {  	_ =	swait.ge [sflag:s4], $0x11400  }
0x2a: {  	[sflag:s4] =	ssyncset.done $0x0  }
0x2b: {  	s14 =	sadd.s32 s18, s14;
	[sflag:s4] =	ssyncadd.s32 $0xFFFEEC00  }
0x2c: {  	[hbm4b:s14+s2] =	stream.linear.scatter [tilespmem:s2], [sflag:$0x2], $0x11400, $0x38;
	[tilespmem:$0x11400] =	vst v63  }
0x2d: {  	_ =	swait.ge [sflag:s5], $0x11400  }
0x2e: {  	s16 =	sadd.s32 $0x159000, s20;
	[sflag:s5] =	ssyncset.done $0x0  }
0x2f: {  	s15 =	sadd.s32 s19, s16;
	[sflag:s5] =	ssyncadd.s32 $0xFFFEEC00  }
0x30: {  	[tilespmem:s2], [sflag:$0x1] =	stream.linear.gather [hbm4b:s15+s2], $0x11400, $0x38;
	[tilespmem:$0x11400] =	vst v63  }
0x31: {  	_ =	swait.ge [sflag:s4], $0x11400  }
0x32: {  	[sflag:s4] =	ssyncset.done $0x0  }
0x33: {  	s21 =	ssub.s32 $0x2, s17;
	s16 =	sadd.s32 s18, s16;
	[sflag:s4] =	ssyncadd.s32 $0xFFFEEC00  }
0x34: {  	[hbm4b:s16+s2] =	stream.linear.scatter [tilespmem:s2], [sflag:$0x2], $0x11400, $0x38;
	[tilespmem:$0x11400] =	vst v63  }
0x35: {  	s31 =	sshrl.u32 s21, $0x1;
	s20 =	sadd.s32 $0x19E000, s20;
	_ =	swait.ge [sflag:s5], $0x11400  }
0x36: {  	s17 =	sadd.s32 s19, s20;
	s19 =	ssub.s32 s21, s31;
	[sflag:s5] =	ssyncset.done $0x0  }
0x37: {  	s19 =	smax.u32 s19, $0x1;
	[sflag:s5] =	ssyncadd.s32 $0xFFFEEC00  }
0x38: {  	[tilespmem:s2], [sflag:$0x1] =	stream.linear.gather [hbm4b:s17+s2], $0x11400, $0x38;
	[tilespmem:$0x11400] =	vst v63  }
0x39: {  	p0 =	sne.s32 s19, $0x1;
	_ =	swait.ge [sflag:s4], $0x11400  }
.Ltmp0:
0x3a: {  	[sflag:s4] =	ssyncset.done $0x0;
	(pc) =	sbr.rel @!p0 .LBB2_2-.Ltmp0, $4  }
0x3b: {  	s18 =	sadd.s32 s18, s20;
	[sflag:s4] =	ssyncadd.s32 $0xFFFEEC00  }
0x3c: {  	[hbm4b:s18+s2] =	stream.linear.scatter [tilespmem:s2], [sflag:$0x2], $0x11400, $0x38;
	[tilespmem:$0x11400] =	vst v63  }
0x3d: {  	_ =	swait.ge [sflag:s5], $0x11400  }
0x3e: {  	s19 =	sadd.s32 $0xFFFFFFFF, s19;
	[sflag:s5] =	ssyncset.done $0x0  }
.LBB2_1:
0x3f: {  	p0 =	sne.s32 s19, $0x1;
	s19 =	sadd.s32 $0xFFFFFFFF, s19;
	[sflag:s5] =	ssyncadd.s32 $0xFFFEEC00  }
0x40: {  	[tilespmem:s2], [sflag:$0x1] =	stream.linear.gather [hbm4b:s3+s2], $0x11400, $0x38;
	[tilespmem:$0x11400] =	vst v63  }
0x41: {  	_ =	swait.ge [sflag:s4], $0x11400  }
0x42: {  	[sflag:s4] =	ssyncset.done $0x0  }
0x43: {  	[sflag:s4] =	ssyncadd.s32 $0xFFFEEC00  }
0x44: {  	[hbm4b:s6+s2] =	stream.linear.scatter [tilespmem:s2], [sflag:$0x2], $0x11400, $0x38;
	[tilespmem:$0x11400] =	vst v63  }
0x45: {  	_ =	swait.ge [sflag:s5], $0x11400  }
0x46: {  	[sflag:s5] =	ssyncset.done $0x0  }
0x47: {  	[sflag:s5] =	ssyncadd.s32 $0xFFFEEC00  }
0x48: {  	[tilespmem:s2], [sflag:$0x1] =	stream.linear.gather [hbm4b:s7+s2], $0x11400, $0x38;
	[tilespmem:$0x11400] =	vst v63  }
0x49: {  	_ =	swait.ge [sflag:s4], $0x11400  }
0x4a: {  	[sflag:s4] =	ssyncset.done $0x0  }
0x4b: {  	[sflag:s4] =	ssyncadd.s32 $0xFFFEEC00  }
0x4c: {  	[hbm4b:s8+s2] =	stream.linear.scatter [tilespmem:s2], [sflag:$0x2], $0x11400, $0x38;
	[tilespmem:$0x11400] =	vst v63  }
0x4d: {  	_ =	swait.ge [sflag:s5], $0x11400  }
0x4e: {  	[sflag:s5] =	ssyncset.done $0x0  }
0x4f: {  	[sflag:s5] =	ssyncadd.s32 $0xFFFEEC00  }
0x50: {  	[tilespmem:s2], [sflag:$0x1] =	stream.linear.gather [hbm4b:s9+s2], $0x11400, $0x38;
	[tilespmem:$0x11400] =	vst v63  }
0x51: {  	_ =	swait.ge [sflag:s4], $0x11400  }
0x52: {  	[sflag:s4] =	ssyncset.done $0x0  }
0x53: {  	[sflag:s4] =	ssyncadd.s32 $0xFFFEEC00  }
0x54: {  	[hbm4b:s10+s2] =	stream.linear.scatter [tilespmem:s2], [sflag:$0x2], $0x11400, $0x38;
	[tilespmem:$0x11400] =	vst v63  }
0x55: {  	_ =	swait.ge [sflag:s5], $0x11400  }
0x56: {  	[sflag:s5] =	ssyncset.done $0x0  }
0x57: {  	[sflag:s5] =	ssyncadd.s32 $0xFFFEEC00  }
0x58: {  	[tilespmem:s2], [sflag:$0x1] =	stream.linear.gather [hbm4b:s11+s2], $0x11400, $0x38;
	[tilespmem:$0x11400] =	vst v63  }
0x59: {  	_ =	swait.ge [sflag:s4], $0x11400  }
0x5a: {  	[sflag:s4] =	ssyncset.done $0x0  }
0x5b: {  	[sflag:s4] =	ssyncadd.s32 $0xFFFEEC00  }
0x5c: {  	[hbm4b:s12+s2] =	stream.linear.scatter [tilespmem:s2], [sflag:$0x2], $0x11400, $0x38;
	[tilespmem:$0x11400] =	vst v63  }
0x5d: {  	_ =	swait.ge [sflag:s5], $0x11400  }
0x5e: {  	[sflag:s5] =	ssyncset.done $0x0  }
0x5f: {  	[sflag:s5] =	ssyncadd.s32 $0xFFFEEC00  }
0x60: {  	[tilespmem:s2], [sflag:$0x1] =	stream.linear.gather [hbm4b:s13+s2], $0x11400, $0x38;
	[tilespmem:$0x11400] =	vst v63  }
0x61: {  	_ =	swait.ge [sflag:s4], $0x11400  }
0x62: {  	[sflag:s4] =	ssyncset.done $0x0  }
0x63: {  	[sflag:s4] =	ssyncadd.s32 $0xFFFEEC00  }
0x64: {  	[hbm4b:s14+s2] =	stream.linear.scatter [tilespmem:s2], [sflag:$0x2], $0x11400, $0x38;
	[tilespmem:$0x11400] =	vst v63  }
0x65: {  	_ =	swait.ge [sflag:s5], $0x11400  }
0x66: {  	[sflag:s5] =	ssyncset.done $0x0  }
0x67: {  	[sflag:s5] =	ssyncadd.s32 $0xFFFEEC00  }
0x68: {  	[tilespmem:s2], [sflag:$0x1] =	stream.linear.gather [hbm4b:s15+s2], $0x11400, $0x38;
	[tilespmem:$0x11400] =	vst v63  }
0x69: {  	_ =	swait.ge [sflag:s4], $0x11400  }
0x6a: {  	[sflag:s4] =	ssyncset.done $0x0  }
0x6b: {  	[sflag:s4] =	ssyncadd.s32 $0xFFFEEC00  }
0x6c: {  	[hbm4b:s16+s2] =	stream.linear.scatter [tilespmem:s2], [sflag:$0x2], $0x11400, $0x38;
	[tilespmem:$0x11400] =	vst v63  }
0x6d: {  	_ =	swait.ge [sflag:s5], $0x11400  }
0x6e: {  	[sflag:s5] =	ssyncset.done $0x0  }
0x6f: {  	[sflag:s5] =	ssyncadd.s32 $0xFFFEEC00  }
0x70: {  	[tilespmem:s2], [sflag:$0x1] =	stream.linear.gather [hbm4b:s17+s2], $0x11400, $0x38;
	[tilespmem:$0x11400] =	vst v63  }
0x71: {  	_ =	swait.ge [sflag:s4], $0x11400  }
.Ltmp1:
0x72: {  	[sflag:s4] =	ssyncset.done $0x0;
	(pc) =	sbr.rel @p0 .LBB2_1-.Ltmp1, $4  }
0x73: {  	[sflag:s4] =	ssyncadd.s32 $0xFFFEEC00  }
0x74: {  	[hbm4b:s18+s2] =	stream.linear.scatter [tilespmem:s2], [sflag:$0x2], $0x11400, $0x38;
	[tilespmem:$0x11400] =	vst v63  }
0x75: {  	_ =	swait.ge [sflag:s5], $0x11400  }
0x76: {  	[sflag:s5] =	ssyncset.done $0x0  }
.LBB2_2:
0x77: {  	[sflag:s5] =	ssyncadd.s32 $0xFFFEEC00  }
0x78: {  	_ =	sfence.sel $0x180000  }
0x79: {  	[bflag:$0x0] =	sbarrier.arrive $0xFFFF  }
0x7a: {  	p0 =	sne.s32 s0, $0x0;
	_ =	strace $0x90000047  }
0x7b: {  	s0 =	sadd.s32 @!p0 $0x100000, s1;
	[bflag:$0x2] =	sbarrier.arrive $0xFFFF  }
0x7c: {  	[sflag:s0] =	ssyncadd.tile.s32 @!p0 $0x1;
	_ =	shalt  }
.Lfunc_end2:
_tile_overlayer_lowered:
.L_overlay_start_2:
0x7d: {  	(tag) =	ssettag $0x2  }
0x7e: {  	s0 =	rddreg [dreg:$0x0];
	s2 =	stileid.u32  }
0x7f: {  	s1 =	rddreg [dreg:$0x1];
	p0 =	sne.s32 s2, $0x0  }
0x80: {  	s3 =	rddreg [dreg:$0x2];
	[bflag:$0x3] =	sbarrier.arrive $0xFFFF;
	s2 =	simm.s32 @!p0 $0x1C03  }
0x81: {  	[timem:s3], [sflag:s2] =	dma.local @!p0 [hbm:s0], s1  }
0x82: {  	s0 =	simm.s32 @!p0 $0x3  }
0x83: {  	_ =	swait.ge @!p0 [sflag:s0], s1  }
0x84: {  	s1 =	ssub.s32 @!p0 $0x0, s1;
	[sflag:s0] =	ssyncset.done @!p0 $0x0  }
0x85: {  	[sflag:s0] =	ssyncadd.s32 @!p0 s1  }
0x86: {  	[bflag:$0x3] =	sbarrier.arrive $0xFFFF  }
0x87: {  	_ =	shalt  }

</sc_bundles>
